<compile_context>
chip_gen: v7x
topology: tpu7x:2x2x1
jax: 0.10.2.dev20260603
libtpu: 0.0.44.dev20260713+nightly
codegen_flags: <defaults>
</compile_context>

<pallas_src>
import functools

import jax
import jax.numpy as jnp
from jax import lax
from jax.experimental import pallas as pl
from jax.experimental.pallas import tpu as pltpu
from jax.experimental.pallas import tpu_sc as plsc

_N = 256
_NH = 32
_NN = _N * _N
_ROWS = 961
_STRIDE = 968
_NW = 32
_CHUNK = _NN // _NW
_L = 16


def _sc_gather(table_t_flat, idx_flat):
    mesh = plsc.VectorSubcoreMesh(core_axis_name="c", subcore_axis_name="s")

    @functools.partial(
        pl.kernel,
        mesh=mesh,
        compiler_params=pltpu.CompilerParams(needs_layout_passes=False),
        out_type=jax.ShapeDtypeStruct((_NH, _NN // 1024, 8, 128), jnp.float32),
        scratch_types=[
            pltpu.VMEM((_STRIDE * _NH,), jnp.float32),
            pltpu.VMEM((8, _N), jnp.int32),
            pltpu.VMEM((_NH, 2, 8, 128), jnp.float32),
            pltpu.SemaphoreType.DMA,
            pltpu.SemaphoreType.DMA,
            pltpu.SemaphoreType.DMA,
            pltpu.SemaphoreType.DMA,
        ],
    )
    def body(
        table_hbm, idx_hbm, out_hbm, tab_v, idx_v, out_v, ts0, ts1, isem, osem
    ):
        wid = lax.axis_index("s") * 2 + lax.axis_index("c")
        half_tab = _STRIDE * _NH // 2

        cp_i = pltpu.async_copy(idx_hbm.at[pl.ds(wid * 8, 8)], idx_v, isem)
        cp_t0 = pltpu.async_copy(
            table_hbm.at[pl.ds(0, half_tab)], tab_v.at[pl.ds(0, half_tab)], ts0
        )
        cp_t1 = pltpu.async_copy(
            table_hbm.at[pl.ds(half_tab, half_tab)],
            tab_v.at[pl.ds(half_tab, half_tab)],
            ts1,
        )
        cp_i.wait()
        cp_t0.wait()

        def quarter(q, carry):
            hb = (q >> 1) << 4
            jb = q & 1

            @pl.when(q == 2)
            def _wait_t1():
                cp_t1.wait()

            @plsc.parallel_loop(0, _CHUNK // _L // 2, unroll=2)
            def step(t):
                ii = t >> 3
                ji = (t & 7) * _L
                ivec = idx_v[ii, pl.ds(jb * 128 + ji, _L)]
                for k in range(16):
                    out_v[hb + k, jb, ii, pl.ds(ji, _L)] = plsc.load_gather(
                        tab_v.at[pl.ds((hb + k) * _STRIDE, _ROWS)], [ivec]
                    )

            pltpu.async_copy(
                out_v.at[pl.ds(hb, 16), pl.ds(jb, 1)],
                out_hbm.at[pl.ds(hb, 16), pl.ds(wid * 2 + jb, 1)],
                osem,
            )
            return carry

        lax.fori_loop(0, 4, quarter, 0)
        for _ in range(4):
            pltpu.make_async_copy(
                out_hbm.at[pl.ds(0, 16), pl.ds(0, 1)],
                out_v.at[pl.ds(0, 16), pl.ds(0, 1)],
                osem,
            ).wait()

    return body(table_t_flat, idx_flat)


def kernel(table, rel_index):
    table_t = jnp.pad(table.T, ((0, 0), (0, _STRIDE - _ROWS)))
    out = _sc_gather(table_t.reshape(-1), rel_index)
    out = out.reshape(_NH, _N // 8, _N // 128, 8, 128)
    out = out.transpose(0, 1, 3, 2, 4)
    return out.reshape(1, _NH, _N, _N)

# --- scband reference (transcript-rebuilt; emitter-appended) ---
"""Pipeline reference for scband-relative-position-bias2-d-49331994361924 (READ-ONLY COPY).

The authoritative reference and input builder live on the scoring server;
editing this copy changes nothing except your own understanding.
"""

import jax, jax.numpy as jnp
import numpy as np

WH, WW = 16, 16
NUM_HEADS = 32

def _build_rel_index(Wh, Ww):
    coords_h = np.arange(Wh)
    coords_w = np.arange(Ww)
    coords = np.stack(np.meshgrid(coords_h, coords_w, indexing='ij'), axis=0)  # (2, Wh, Ww)
    coords_flat = coords.reshape(2, -1)  # (2, N)
    rel = coords_flat[:, :, None] - coords_flat[:, None, :]  # (2, N, N)
    rel = np.transpose(rel, (1, 2, 0)).copy()  # (N, N, 2)
    rel[..., 0] += Wh - 1
    rel[..., 1] += Ww - 1
    rel[..., 0] *= 2 * Ww - 1
    rel_index = rel.sum(-1)  # (N, N)
    return rel_index.astype(np.int32)

def setup_inputs(seed: int = 0) -> dict:
    key = jax.random.key(seed)
    num_rel_positions = (2 * WH - 1) * (2 * WW - 1)  # 961
    # trunc_normal_(std=0.02) approximated by clipped normal
    table = jnp.clip(jax.random.normal(key, (num_rel_positions, NUM_HEADS), dtype=jnp.float32) * 0.02, -0.04, 0.04)
    rel_index = jnp.asarray(_build_rel_index(WH, WW))  # (256, 256) int32
    return {"table": table, "rel_index": rel_index}

def reference(table, rel_index):
    N = WH * WW
    idx = rel_index[:N, :N].reshape(-1)  # (N*N,)
    bias = jnp.take(table, idx, axis=0)  # (N*N, num_heads) gather
    bias = bias.reshape(N, N, NUM_HEADS)
    bias = jnp.transpose(bias, (2, 0, 1))  # (num_heads, N, N)
    return bias[None]  # (1, num_heads, N, N)

if __name__ == "__main__":
    import jax
    _d = setup_inputs()
    print(jax.jit(kernel)(*tuple(_d.values())))

</pallas_src>

<mosaic_0001>
#map = affine_map<(d0, d1) -> (0)>
#map1 = affine_map<(d0, d1) -> (0, 0)>
#map2 = affine_map<(d0, d1) -> (0, 0, 0, 0)>
module attributes {stable_mosaic.version = 14 : i64} {
  func.func @body(%arg0: i32, %arg1: i32, %arg2: memref<30976xf32, #tpu.memory_space<hbm>>, %arg3: memref<256x256xi32, #tpu.memory_space<hbm>>, %arg4: memref<32x64x8x128xf32, #tpu.memory_space<hbm>>, %arg5: memref<30976xf32, #tpu.memory_space<vmem>>, %arg6: memref<8x256xi32, #tpu.memory_space<vmem>>, %arg7: memref<32x2x8x128xf32, #tpu.memory_space<vmem>>, %arg8: memref<!tpu.dma_semaphore, #tpu.memory_space<semaphore_mem>>, %arg9: memref<!tpu.dma_semaphore, #tpu.memory_space<semaphore_mem>>, %arg10: memref<!tpu.dma_semaphore, #tpu.memory_space<semaphore_mem>>, %arg11: memref<!tpu.dma_semaphore, #tpu.memory_space<semaphore_mem>>) attributes {dimension_semantics = [#tpu.dimension_semantics<core_parallel>, #tpu.dimension_semantics<subcore_parallel>], iteration_bounds = array<i64: 2, 16>, scalar_prefetch = 0 : i64, scratch_operands = 7 : i64, tpu.core_type = #tpu.core_type<sc_vector_subcore>, window_params = [{transform_indices = #map}, {transform_indices = #map1}, {transform_indices = #map2}]} {
    %mul3A = arith.constant 2 : i32
    %mul3A_0 = arith.muli %arg1, %mul3A : i32
    %add3A = arith.addi %mul3A_0, %arg0 : i32
    %mul3A_1 = arith.constant 8 : i32
    %mul3A_2 = arith.muli %add3A, %mul3A_1 : i32
    %dma_start3A = arith.constant 0 : i32
    %dma_start3A_3 = tpu.memref_slice %arg3[%mul3A_2, %dma_start3A] : memref<256x256xi32, #tpu.memory_space<hbm>> -> memref<8x256xi32, #tpu.memory_space<hbm>>
    %dma_start3A_4 = arith.constant 0 : i32
    %dma_start3A_5 = tpu.memref_slice %arg3[%mul3A_2, %dma_start3A_4] : memref<256x256xi32, #tpu.memory_space<hbm>> -> memref<8x256xi32, #tpu.memory_space<hbm>>
    tpu.enqueue_dma source(%dma_start3A_5 : memref<8x256xi32, #tpu.memory_space<hbm>>) target(%arg6 : memref<8x256xi32, #tpu.memory_space<vmem>>) target_semaphore(%arg10 : memref<!tpu.dma_semaphore, #tpu.memory_space<semaphore_mem>>)
    %dma_start3A_6 = arith.constant 0 : i32
    %dma_start3A_7 = tpu.memref_slice %arg5[%dma_start3A_6] : memref<30976xf32, #tpu.memory_space<vmem>> -> memref<15488xf32, #tpu.memory_space<vmem>>
    %dma_start3A_8 = arith.constant 0 : i32
    %dma_start3A_9 = tpu.memref_slice %arg2[%dma_start3A_8] : memref<30976xf32, #tpu.memory_space<hbm>> -> memref<15488xf32, #tpu.memory_space<hbm>>
    %dma_start3A_10 = arith.constant 0 : i32
    %dma_start3A_11 = tpu.memref_slice %arg5[%dma_start3A_10] : memref<30976xf32, #tpu.memory_space<vmem>> -> memref<15488xf32, #tpu.memory_space<vmem>>
    %dma_start3A_12 = arith.constant 0 : i32
    %dma_start3A_13 = tpu.memref_slice %arg2[%dma_start3A_12] : memref<30976xf32, #tpu.memory_space<hbm>> -> memref<15488xf32, #tpu.memory_space<hbm>>
    tpu.enqueue_dma source(%dma_start3A_13 : memref<15488xf32, #tpu.memory_space<hbm>>) target(%dma_start3A_11 : memref<15488xf32, #tpu.memory_space<vmem>>) target_semaphore(%arg8 : memref<!tpu.dma_semaphore, #tpu.memory_space<semaphore_mem>>)
    %dma_start3A_14 = arith.constant 15488 : i32
    %dma_start3A_15 = tpu.memref_slice %arg5[%dma_start3A_14] : memref<30976xf32, #tpu.memory_space<vmem>> -> memref<15488xf32, #tpu.memory_space<vmem>>
    %dma_start3A_16 = arith.constant 15488 : i32
    %dma_start3A_17 = tpu.memref_slice %arg2[%dma_start3A_16] : memref<30976xf32, #tpu.memory_space<hbm>> -> memref<15488xf32, #tpu.memory_space<hbm>>
    %dma_start3A_18 = arith.constant 15488 : i32
    %dma_start3A_19 = tpu.memref_slice %arg5[%dma_start3A_18] : memref<30976xf32, #tpu.memory_space<vmem>> -> memref<15488xf32, #tpu.memory_space<vmem>>
    %dma_start3A_20 = arith.constant 15488 : i32
    %dma_start3A_21 = tpu.memref_slice %arg2[%dma_start3A_20] : memref<30976xf32, #tpu.memory_space<hbm>> -> memref<15488xf32, #tpu.memory_space<hbm>>
    tpu.enqueue_dma source(%dma_start3A_21 : memref<15488xf32, #tpu.memory_space<hbm>>) target(%dma_start3A_19 : memref<15488xf32, #tpu.memory_space<vmem>>) target_semaphore(%arg9 : memref<!tpu.dma_semaphore, #tpu.memory_space<semaphore_mem>>)
    %dma_wait3A = arith.constant 0 : i32
    %dma_wait3A_22 = tpu.memref_slice %arg3[%mul3A_2, %dma_wait3A] : memref<256x256xi32, #tpu.memory_space<hbm>> -> memref<8x256xi32, #tpu.memory_space<hbm>>
    %dma_wait3A_23 = arith.constant 0 : i32
    %dma_wait3A_24 = tpu.memref_slice %arg3[%mul3A_2, %dma_wait3A_23] : memref<256x256xi32, #tpu.memory_space<hbm>> -> memref<8x256xi32, #tpu.memory_space<hbm>>
    tpu.wait_dma2 semaphore(%arg10 : memref<!tpu.dma_semaphore, #tpu.memory_space<semaphore_mem>>) src(%dma_wait3A_24 : memref<8x256xi32, #tpu.memory_space<hbm>>) dst(%arg6 : memref<8x256xi32, #tpu.memory_space<vmem>>)
    %dma_wait3A_25 = arith.constant 0 : i32
    %dma_wait3A_26 = tpu.memref_slice %arg5[%dma_wait3A_25] : memref<30976xf32, #tpu.memory_space<vmem>> -> memref<15488xf32, #tpu.memory_space<vmem>>
    %dma_wait3A_27 = arith.constant 0 : i32
    %dma_wait3A_28 = tpu.memref_slice %arg2[%dma_wait3A_27] : memref<30976xf32, #tpu.memory_space<hbm>> -> memref<15488xf32, #tpu.memory_space<hbm>>
    %dma_wait3A_29 = arith.constant 0 : i32
    %dma_wait3A_30 = tpu.memref_slice %arg5[%dma_wait3A_29] : memref<30976xf32, #tpu.memory_space<vmem>> -> memref<15488xf32, #tpu.memory_space<vmem>>
    %dma_wait3A_31 = arith.constant 0 : i32
    %dma_wait3A_32 = tpu.memref_slice %arg2[%dma_wait3A_31] : memref<30976xf32, #tpu.memory_space<hbm>> -> memref<15488xf32, #tpu.memory_space<hbm>>
    tpu.wait_dma2 semaphore(%arg8 : memref<!tpu.dma_semaphore, #tpu.memory_space<semaphore_mem>>) src(%dma_wait3A_32 : memref<15488xf32, #tpu.memory_space<hbm>>) dst(%dma_wait3A_30 : memref<15488xf32, #tpu.memory_space<vmem>>)
    %scan3A = arith.constant 0 : i32
    %scan3A_33 = arith.constant 0 : i32
    %scan3A_34 = arith.constant 4 : i32
    %scan3A_35 = arith.addi %scan3A_33, %scan3A_34 : i32
    %scan3A_36 = arith.constant 1 : i32
    scf.for %scan3A_118 = %scan3A_33 to %scan3A_35 step %scan3A_36  : i32 {
      %shift_right_arithmetic3A = arith.constant 1 : i32
      %shift_right_arithmetic3A_119 = arith.shrsi %scan3A_118, %shift_right_arithmetic3A : i32
      %shift_left3A = arith.constant 4 : i32
      %shift_left3A_120 = arith.shli %shift_right_arithmetic3A_119, %shift_left3A : i32
      %and3A = arith.constant 1 : i32
      %and3A_121 = arith.andi %scan3A_118, %and3A : i32
      %eq3A = arith.constant 2 : i32
      %eq3A_122 = arith.cmpi eq, %scan3A_118, %eq3A : i32
      %convert_element_type3A = arith.extui %eq3A_122 : i1 to i32
      %cond3A = arith.constant 0 : i32
      %cond3A_123 = arith.cmpi ne, %convert_element_type3A, %cond3A : i32
      scf.if %cond3A_123 {
        %dma_wait3A_141 = arith.constant 15488 : i32
        %dma_wait3A_142 = tpu.memref_slice %arg5[%dma_wait3A_141] : memref<30976xf32, #tpu.memory_space<vmem>> -> memref<15488xf32, #tpu.memory_space<vmem>>
        %dma_wait3A_143 = arith.constant 15488 : i32
        %dma_wait3A_144 = tpu.memref_slice %arg2[%dma_wait3A_143] : memref<30976xf32, #tpu.memory_space<hbm>> -> memref<15488xf32, #tpu.memory_space<hbm>>
        %dma_wait3A_145 = arith.constant 15488 : i32
        %dma_wait3A_146 = tpu.memref_slice %arg5[%dma_wait3A_145] : memref<30976xf32, #tpu.memory_space<vmem>> -> memref<15488xf32, #tpu.memory_space<vmem>>
        %dma_wait3A_147 = arith.constant 15488 : i32
        %dma_wait3A_148 = tpu.memref_slice %arg2[%dma_wait3A_147] : memref<30976xf32, #tpu.memory_space<hbm>> -> memref<15488xf32, #tpu.memory_space<hbm>>
        tpu.wait_dma2 semaphore(%arg9 : memref<!tpu.dma_semaphore, #tpu.memory_space<semaphore_mem>>) src(%dma_wait3A_148 : memref<15488xf32, #tpu.memory_space<hbm>>) dst(%dma_wait3A_146 : memref<15488xf32, #tpu.memory_space<vmem>>)
      } else {
      }
      %parallel_loop3A = arith.constant 0 : i32
      %parallel_loop3A_124 = arith.constant 64 : i32
      %parallel_loop3A_125 = arith.constant 1 : i32
      scf.for %parallel_loop3A_141 = %parallel_loop3A to %parallel_loop3A_124 step %parallel_loop3A_125  : i32 {
        %parallel_loop3A_142 = arith.constant 3 : i32
        %parallel_loop3A_143 = arith.shrsi %parallel_loop3A_141, %parallel_loop3A_142 : i32
        %parallel_loop3A_144 = arith.constant 7 : i32
        %parallel_loop3A_145 = arith.andi %parallel_loop3A_141, %parallel_loop3A_144 : i32
        %parallel_loop3A_146 = arith.constant 16 : i32
        %parallel_loop3A_147 = arith.muli %parallel_loop3A_145, %parallel_loop3A_146 : i32
        %parallel_loop3A_148 = arith.constant 128 : i32
        %parallel_loop3A_149 = arith.muli %and3A_121, %parallel_loop3A_148 : i32
        %parallel_loop3A_150 = arith.addi %parallel_loop3A_149, %parallel_loop3A_147 : i32
        %parallel_loop3A_151 = arith.index_cast %parallel_loop3A_143 : i32 to index
        %parallel_loop3A_152 = arith.index_cast %parallel_loop3A_150 : i32 to index
        %parallel_loop3A_153 = tpu.vector_load %arg6[%parallel_loop3A_151, %parallel_loop3A_152] {strides = array<i32>} : memref<8x256xi32, #tpu.memory_space<vmem>>, vector<16xi32>,
        %parallel_loop3A_154 = arith.constant 0 : i32
        %parallel_loop3A_155 = arith.addi %shift_left3A_120, %parallel_loop3A_154 : i32
        %parallel_loop3A_156 = arith.constant 968 : i32
        %parallel_loop3A_157 = arith.muli %parallel_loop3A_155, %parallel_loop3A_156 : i32
        %parallel_loop3A_158 = tpu.memref_slice %arg5[%parallel_loop3A_157] : memref<30976xf32, #tpu.memory_space<vmem>> -> memref<961xf32, #tpu.memory_space<vmem>>
        %parallel_loop3A_159 = tpu.vector_load_idx %parallel_loop3A_158[%parallel_loop3A_153] : memref<961xf32, #tpu.memory_space<vmem>>[vector<16xi32>], vector<16xf32>,
        %parallel_loop3A_160 = arith.constant 0 : i32
        %parallel_loop3A_161 = arith.addi %shift_left3A_120, %parallel_loop3A_160 : i32
        %parallel_loop3A_162 = arith.index_cast %parallel_loop3A_161 : i32 to index
        %parallel_loop3A_163 = arith.index_cast %and3A_121 : i32 to index
        %parallel_loop3A_164 = arith.index_cast %parallel_loop3A_143 : i32 to index
        %parallel_loop3A_165 = arith.index_cast %parallel_loop3A_147 : i32 to index
        %parallel_loop3A_166 = tpu.vector_load %arg7[%parallel_loop3A_162, %parallel_loop3A_163, %parallel_loop3A_164, %parallel_loop3A_165] {strides = array<i32>} : memref<32x2x8x128xf32, #tpu.memory_space<vmem>>, vector<16xf32>,
        tpu.vector_store %arg7[%parallel_loop3A_162, %parallel_loop3A_163, %parallel_loop3A_164, %parallel_loop3A_165], %parallel_loop3A_159 {strides = array<i32>} : memref<32x2x8x128xf32, #tpu.memory_space<vmem>>, vector<16xf32>,
        %parallel_loop3A_167 = arith.constant 1 : i32
        %parallel_loop3A_168 = arith.addi %shift_left3A_120, %parallel_loop3A_167 : i32
        %parallel_loop3A_169 = arith.constant 968 : i32
        %parallel_loop3A_170 = arith.muli %parallel_loop3A_168, %parallel_loop3A_169 : i32
        %parallel_loop3A_171 = tpu.memref_slice %arg5[%parallel_loop3A_170] : memref<30976xf32, #tpu.memory_space<vmem>> -> memref<961xf32, #tpu.memory_space<vmem>>
        %parallel_loop3A_172 = tpu.vector_load_idx %parallel_loop3A_171[%parallel_loop3A_153] : memref<961xf32, #tpu.memory_space<vmem>>[vector<16xi32>], vector<16xf32>,
        %parallel_loop3A_173 = arith.constant 1 : i32
        %parallel_loop3A_174 = arith.addi %shift_left3A_120, %parallel_loop3A_173 : i32
        %parallel_loop3A_175 = arith.index_cast %parallel_loop3A_174 : i32 to index
        %parallel_loop3A_176 = arith.index_cast %and3A_121 : i32 to index
        %parallel_loop3A_177 = arith.index_cast %parallel_loop3A_143 : i32 to index
        %parallel_loop3A_178 = arith.index_cast %parallel_loop3A_147 : i32 to index
        %parallel_loop3A_179 = tpu.vector_load %arg7[%parallel_loop3A_175, %parallel_loop3A_176, %parallel_loop3A_177, %parallel_loop3A_178] {strides = array<i32>} : memref<32x2x8x128xf32, #tpu.memory_space<vmem>>, vector<16xf32>,
        tpu.vector_store %arg7[%parallel_loop3A_175, %parallel_loop3A_176, %parallel_loop3A_177, %parallel_loop3A_178], %parallel_loop3A_172 {strides = array<i32>} : memref<32x2x8x128xf32, #tpu.memory_space<vmem>>, vector<16xf32>,
        %parallel_loop3A_180 = arith.constant 2 : i32
        %parallel_loop3A_181 = arith.addi %shift_left3A_120, %parallel_loop3A_180 : i32
        %parallel_loop3A_182 = arith.constant 968 : i32
        %parallel_loop3A_183 = arith.muli %parallel_loop3A_181, %parallel_loop3A_182 : i32
        %parallel_loop3A_184 = tpu.memref_slice %arg5[%parallel_loop3A_183] : memref<30976xf32, #tpu.memory_space<vmem>> -> memref<961xf32, #tpu.memory_space<vmem>>
        %parallel_loop3A_185 = tpu.vector_load_idx %parallel_loop3A_184[%parallel_loop3A_153] : memref<961xf32, #tpu.memory_space<vmem>>[vector<16xi32>], vector<16xf32>,
        %parallel_loop3A_186 = arith.constant 2 : i32
        %parallel_loop3A_187 = arith.addi %shift_left3A_120, %parallel_loop3A_186 : i32
        %parallel_loop3A_188 = arith.index_cast %parallel_loop3A_187 : i32 to index
        %parallel_loop3A_189 = arith.index_cast %and3A_121 : i32 to index
        %parallel_loop3A_190 = arith.index_cast %parallel_loop3A_143 : i32 to index
        %parallel_loop3A_191 = arith.index_cast %parallel_loop3A_147 : i32 to index
        %parallel_loop3A_192 = tpu.vector_load %arg7[%parallel_loop3A_188, %parallel_loop3A_189, %parallel_loop3A_190, %parallel_loop3A_191] {strides = array<i32>} : memref<32x2x8x128xf32, #tpu.memory_space<vmem>>, vector<16xf32>,
        tpu.vector_store %arg7[%parallel_loop3A_188, %parallel_loop3A_189, %parallel_loop3A_190, %parallel_loop3A_191], %parallel_loop3A_185 {strides = array<i32>} : memref<32x2x8x128xf32, #tpu.memory_space<vmem>>, vector<16xf32>,
        %parallel_loop3A_193 = arith.constant 3 : i32
        %parallel_loop3A_194 = arith.addi %shift_left3A_120, %parallel_loop3A_193 : i32
        %parallel_loop3A_195 = arith.constant 968 : i32
        %parallel_loop3A_196 = arith.muli %parallel_loop3A_194, %parallel_loop3A_195 : i32
        %parallel_loop3A_197 = tpu.memref_slice %arg5[%parallel_loop3A_196] : memref<30976xf32, #tpu.memory_space<vmem>> -> memref<961xf32, #tpu.memory_space<vmem>>
        %parallel_loop3A_198 = tpu.vector_load_idx %parallel_loop3A_197[%parallel_loop3A_153] : memref<961xf32, #tpu.memory_space<vmem>>[vector<16xi32>], vector<16xf32>,
        %parallel_loop3A_199 = arith.constant 3 : i32
        %parallel_loop3A_200 = arith.addi %shift_left3A_120, %parallel_loop3A_199 : i32
        %parallel_loop3A_201 = arith.index_cast %parallel_loop3A_200 : i32 to index
        %parallel_loop3A_202 = arith.index_cast %and3A_121 : i32 to index
        %parallel_loop3A_203 = arith.index_cast %parallel_loop3A_143 : i32 to index
        %parallel_loop3A_204 = arith.index_cast %parallel_loop3A_147 : i32 to index
        %parallel_loop3A_205 = tpu.vector_load %arg7[%parallel_loop3A_201, %parallel_loop3A_202, %parallel_loop3A_203, %parallel_loop3A_204] {strides = array<i32>} : memref<32x2x8x128xf32, #tpu.memory_space<vmem>>, vector<16xf32>,
        tpu.vector_store %arg7[%parallel_loop3A_201, %parallel_loop3A_202, %parallel_loop3A_203, %parallel_loop3A_204], %parallel_loop3A_198 {strides = array<i32>} : memref<32x2x8x128xf32, #tpu.memory_space<vmem>>, vector<16xf32>,
        %parallel_loop3A_206 = arith.constant 4 : i32
        %parallel_loop3A_207 = arith.addi %shift_left3A_120, %parallel_loop3A_206 : i32
        %parallel_loop3A_208 = arith.constant 968 : i32
        %parallel_loop3A_209 = arith.muli %parallel_loop3A_207, %parallel_loop3A_208 : i32
        %parallel_loop3A_210 = tpu.memref_slice %arg5[%parallel_loop3A_209] : memref<30976xf32, #tpu.memory_space<vmem>> -> memref<961xf32, #tpu.memory_space<vmem>>
        %parallel_loop3A_211 = tpu.vector_load_idx %parallel_loop3A_210[%parallel_loop3A_153] : memref<961xf32, #tpu.memory_space<vmem>>[vector<16xi32>], vector<16xf32>,
        %parallel_loop3A_212 = arith.constant 4 : i32
        %parallel_loop3A_213 = arith.addi %shift_left3A_120, %parallel_loop3A_212 : i32
        %parallel_loop3A_214 = arith.index_cast %parallel_loop3A_213 : i32 to index
        %parallel_loop3A_215 = arith.index_cast %and3A_121 : i32 to index
        %parallel_loop3A_216 = arith.index_cast %parallel_loop3A_143 : i32 to index
        %parallel_loop3A_217 = arith.index_cast %parallel_loop3A_147 : i32 to index
        %parallel_loop3A_218 = tpu.vector_load %arg7[%parallel_loop3A_214, %parallel_loop3A_215, %parallel_loop3A_216, %parallel_loop3A_217] {strides = array<i32>} : memref<32x2x8x128xf32, #tpu.memory_space<vmem>>, vector<16xf32>,
        tpu.vector_store %arg7[%parallel_loop3A_214, %parallel_loop3A_215, %parallel_loop3A_216, %parallel_loop3A_217], %parallel_loop3A_211 {strides = array<i32>} : memref<32x2x8x128xf32, #tpu.memory_space<vmem>>, vector<16xf32>,
        %parallel_loop3A_219 = arith.constant 5 : i32
        %parallel_loop3A_220 = arith.addi %shift_left3A_120, %parallel_loop3A_219 : i32
        %parallel_loop3A_221 = arith.constant 968 : i32
        %parallel_loop3A_222 = arith.muli %parallel_loop3A_220, %parallel_loop3A_221 : i32
        %parallel_loop3A_223 = tpu.memref_slice %arg5[%parallel_loop3A_222] : memref<30976xf32, #tpu.memory_space<vmem>> -> memref<961xf32, #tpu.memory_space<vmem>>
        %parallel_loop3A_224 = tpu.vector_load_idx %parallel_loop3A_223[%parallel_loop3A_153] : memref<961xf32, #tpu.memory_space<vmem>>[vector<16xi32>], vector<16xf32>,
        %parallel_loop3A_225 = arith.constant 5 : i32
        %parallel_loop3A_226 = arith.addi %shift_left3A_120, %parallel_loop3A_225 : i32
        %parallel_loop3A_227 = arith.index_cast %parallel_loop3A_226 : i32 to index
        %parallel_loop3A_228 = arith.index_cast %and3A_121 : i32 to index
        %parallel_loop3A_229 = arith.index_cast %parallel_loop3A_143 : i32 to index
        %parallel_loop3A_230 = arith.index_cast %parallel_loop3A_147 : i32 to index
        %parallel_loop3A_231 = tpu.vector_load %arg7[%parallel_loop3A_227, %parallel_loop3A_228, %parallel_loop3A_229, %parallel_loop3A_230] {strides = array<i32>} : memref<32x2x8x128xf32, #tpu.memory_space<vmem>>, vector<16xf32>,
        tpu.vector_store %arg7[%parallel_loop3A_227, %parallel_loop3A_228, %parallel_loop3A_229, %parallel_loop3A_230], %parallel_loop3A_224 {strides = array<i32>} : memref<32x2x8x128xf32, #tpu.memory_space<vmem>>, vector<16xf32>,
        %parallel_loop3A_232 = arith.constant 6 : i32
        %parallel_loop3A_233 = arith.addi %shift_left3A_120, %parallel_loop3A_232 : i32
        %parallel_loop3A_234 = arith.constant 968 : i32
        %parallel_loop3A_235 = arith.muli %parallel_loop3A_233, %parallel_loop3A_234 : i32
        %parallel_loop3A_236 = tpu.memref_slice %arg5[%parallel_loop3A_235] : memref<30976xf32, #tpu.memory_space<vmem>> -> memref<961xf32, #tpu.memory_space<vmem>>
        %parallel_loop3A_237 = tpu.vector_load_idx %parallel_loop3A_236[%parallel_loop3A_153] : memref<961xf32, #tpu.memory_space<vmem>>[vector<16xi32>], vector<16xf32>,
        %parallel_loop3A_238 = arith.constant 6 : i32
        %parallel_loop3A_239 = arith.addi %shift_left3A_120, %parallel_loop3A_238 : i32
        %parallel_loop3A_240 = arith.index_cast %parallel_loop3A_239 : i32 to index
        %parallel_loop3A_241 = arith.index_cast %and3A_121 : i32 to index
        %parallel_loop3A_242 = arith.index_cast %parallel_loop3A_143 : i32 to index
        %parallel_loop3A_243 = arith.index_cast %parallel_loop3A_147 : i32 to index
        %parallel_loop3A_244 = tpu.vector_load %arg7[%parallel_loop3A_240, %parallel_loop3A_241, %parallel_loop3A_242, %parallel_loop3A_243] {strides = array<i32>} : memref<32x2x8x128xf32, #tpu.memory_space<vmem>>, vector<16xf32>,
        tpu.vector_store %arg7[%parallel_loop3A_240, %parallel_loop3A_241, %parallel_loop3A_242, %parallel_loop3A_243], %parallel_loop3A_237 {strides = array<i32>} : memref<32x2x8x128xf32, #tpu.memory_space<vmem>>, vector<16xf32>,
        %parallel_loop3A_245 = arith.constant 7 : i32
        %parallel_loop3A_246 = arith.addi %shift_left3A_120, %parallel_loop3A_245 : i32
        %parallel_loop3A_247 = arith.constant 968 : i32
        %parallel_loop3A_248 = arith.muli %parallel_loop3A_246, %parallel_loop3A_247 : i32
        %parallel_loop3A_249 = tpu.memref_slice %arg5[%parallel_loop3A_248] : memref<30976xf32, #tpu.memory_space<vmem>> -> memref<961xf32, #tpu.memory_space<vmem>>
        %parallel_loop3A_250 = tpu.vector_load_idx %parallel_loop3A_249[%parallel_loop3A_153] : memref<961xf32, #tpu.memory_space<vmem>>[vector<16xi32>], vector<16xf32>,
        %parallel_loop3A_251 = arith.constant 7 : i32
        %parallel_loop3A_252 = arith.addi %shift_left3A_120, %parallel_loop3A_251 : i32
        %parallel_loop3A_253 = arith.index_cast %parallel_loop3A_252 : i32 to index
        %parallel_loop3A_254 = arith.index_cast %and3A_121 : i32 to index
        %parallel_loop3A_255 = arith.index_cast %parallel_loop3A_143 : i32 to index
        %parallel_loop3A_256 = arith.index_cast %parallel_loop3A_147 : i32 to index
        %parallel_loop3A_257 = tpu.vector_load %arg7[%parallel_loop3A_253, %parallel_loop3A_254, %parallel_loop3A_255, %parallel_loop3A_256] {strides = array<i32>} : memref<32x2x8x128xf32, #tpu.memory_space<vmem>>, vector<16xf32>,
        tpu.vector_store %arg7[%parallel_loop3A_253, %parallel_loop3A_254, %parallel_loop3A_255, %parallel_loop3A_256], %parallel_loop3A_250 {strides = array<i32>} : memref<32x2x8x128xf32, #tpu.memory_space<vmem>>, vector<16xf32>,
        %parallel_loop3A_258 = arith.constant 8 : i32
        %parallel_loop3A_259 = arith.addi %shift_left3A_120, %parallel_loop3A_258 : i32
        %parallel_loop3A_260 = arith.constant 968 : i32
        %parallel_loop3A_261 = arith.muli %parallel_loop3A_259, %parallel_loop3A_260 : i32
        %parallel_loop3A_262 = tpu.memref_slice %arg5[%parallel_loop3A_261] : memref<30976xf32, #tpu.memory_space<vmem>> -> memref<961xf32, #tpu.memory_space<vmem>>
        %parallel_loop3A_263 = tpu.vector_load_idx %parallel_loop3A_262[%parallel_loop3A_153] : memref<961xf32, #tpu.memory_space<vmem>>[vector<16xi32>], vector<16xf32>,
        %parallel_loop3A_264 = arith.constant 8 : i32
        %parallel_loop3A_265 = arith.addi %shift_left3A_120, %parallel_loop3A_264 : i32
        %parallel_loop3A_266 = arith.index_cast %parallel_loop3A_265 : i32 to index
        %parallel_loop3A_267 = arith.index_cast %and3A_121 : i32 to index
        %parallel_loop3A_268 = arith.index_cast %parallel_loop3A_143 : i32 to index
        %parallel_loop3A_269 = arith.index_cast %parallel_loop3A_147 : i32 to index
        %parallel_loop3A_270 = tpu.vector_load %arg7[%parallel_loop3A_266, %parallel_loop3A_267, %parallel_loop3A_268, %parallel_loop3A_269] {strides = array<i32>} : memref<32x2x8x128xf32, #tpu.memory_space<vmem>>, vector<16xf32>,
        tpu.vector_store %arg7[%parallel_loop3A_266, %parallel_loop3A_267, %parallel_loop3A_268, %parallel_loop3A_269], %parallel_loop3A_263 {strides = array<i32>} : memref<32x2x8x128xf32, #tpu.memory_space<vmem>>, vector<16xf32>,
        %parallel_loop3A_271 = arith.constant 9 : i32
        %parallel_loop3A_272 = arith.addi %shift_left3A_120, %parallel_loop3A_271 : i32
        %parallel_loop3A_273 = arith.constant 968 : i32
        %parallel_loop3A_274 = arith.muli %parallel_loop3A_272, %parallel_loop3A_273 : i32
        %parallel_loop3A_275 = tpu.memref_slice %arg5[%parallel_loop3A_274] : memref<30976xf32, #tpu.memory_space<vmem>> -> memref<961xf32, #tpu.memory_space<vmem>>
        %parallel_loop3A_276 = tpu.vector_load_idx %parallel_loop3A_275[%parallel_loop3A_153] : memref<961xf32, #tpu.memory_space<vmem>>[vector<16xi32>], vector<16xf32>,
        %parallel_loop3A_277 = arith.constant 9 : i32
        %parallel_loop3A_278 = arith.addi %shift_left3A_120, %parallel_loop3A_277 : i32
        %parallel_loop3A_279 = arith.index_cast %parallel_loop3A_278 : i32 to index
        %parallel_loop3A_280 = arith.index_cast %and3A_121 : i32 to index
        %parallel_loop3A_281 = arith.index_cast %parallel_loop3A_143 : i32 to index
        %parallel_loop3A_282 = arith.index_cast %parallel_loop3A_147 : i32 to index
        %parallel_loop3A_283 = tpu.vector_load %arg7[%parallel_loop3A_279, %parallel_loop3A_280, %parallel_loop3A_281, %parallel_loop3A_282] {strides = array<i32>} : memref<32x2x8x128xf32, #tpu.memory_space<vmem>>, vector<16xf32>,
        tpu.vector_store %arg7[%parallel_loop3A_279, %parallel_loop3A_280, %parallel_loop3A_281, %parallel_loop3A_282], %parallel_loop3A_276 {strides = array<i32>} : memref<32x2x8x128xf32, #tpu.memory_space<vmem>>, vector<16xf32>,
        %parallel_loop3A_284 = arith.constant 10 : i32
        %parallel_loop3A_285 = arith.addi %shift_left3A_120, %parallel_loop3A_284 : i32
        %parallel_loop3A_286 = arith.constant 968 : i32
        %parallel_loop3A_287 = arith.muli %parallel_loop3A_285, %parallel_loop3A_286 : i32
        %parallel_loop3A_288 = tpu.memref_slice %arg5[%parallel_loop3A_287] : memref<30976xf32, #tpu.memory_space<vmem>> -> memref<961xf32, #tpu.memory_space<vmem>>
        %parallel_loop3A_289 = tpu.vector_load_idx %parallel_loop3A_288[%parallel_loop3A_153] : memref<961xf32, #tpu.memory_space<vmem>>[vector<16xi32>], vector<16xf32>,
        %parallel_loop3A_290 = arith.constant 10 : i32
        %parallel_loop3A_291 = arith.addi %shift_left3A_120, %parallel_loop3A_290 : i32
        %parallel_loop3A_292 = arith.index_cast %parallel_loop3A_291 : i32 to index
        %parallel_loop3A_293 = arith.index_cast %and3A_121 : i32 to index
        %parallel_loop3A_294 = arith.index_cast %parallel_loop3A_143 : i32 to index
        %parallel_loop3A_295 = arith.index_cast %parallel_loop3A_147 : i32 to index
        %parallel_loop3A_296 = tpu.vector_load %arg7[%parallel_loop3A_292, %parallel_loop3A_293, %parallel_loop3A_294, %parallel_loop3A_295] {strides = array<i32>} : memref<32x2x8x128xf32, #tpu.memory_space<vmem>>, vector<16xf32>,
        tpu.vector_store %arg7[%parallel_loop3A_292, %parallel_loop3A_293, %parallel_loop3A_294, %parallel_loop3A_295], %parallel_loop3A_289 {strides = array<i32>} : memref<32x2x8x128xf32, #tpu.memory_space<vmem>>, vector<16xf32>,
        %parallel_loop3A_297 = arith.constant 11 : i32
        %parallel_loop3A_298 = arith.addi %shift_left3A_120, %parallel_loop3A_297 : i32
        %parallel_loop3A_299 = arith.constant 968 : i32
        %parallel_loop3A_300 = arith.muli %parallel_loop3A_298, %parallel_loop3A_299 : i32
        %parallel_loop3A_301 = tpu.memref_slice %arg5[%parallel_loop3A_300] : memref<30976xf32, #tpu.memory_space<vmem>> -> memref<961xf32, #tpu.memory_space<vmem>>
        %parallel_loop3A_302 = tpu.vector_load_idx %parallel_loop3A_301[%parallel_loop3A_153] : memref<961xf32, #tpu.memory_space<vmem>>[vector<16xi32>], vector<16xf32>,
        %parallel_loop3A_303 = arith.constant 11 : i32
        %parallel_loop3A_304 = arith.addi %shift_left3A_120, %parallel_loop3A_303 : i32
        %parallel_loop3A_305 = arith.index_cast %parallel_loop3A_304 : i32 to index
        %parallel_loop3A_306 = arith.index_cast %and3A_121 : i32 to index
        %parallel_loop3A_307 = arith.index_cast %parallel_loop3A_143 : i32 to index
        %parallel_loop3A_308 = arith.index_cast %parallel_loop3A_147 : i32 to index
        %parallel_loop3A_309 = tpu.vector_load %arg7[%parallel_loop3A_305, %parallel_loop3A_306, %parallel_loop3A_307, %parallel_loop3A_308] {strides = array<i32>} : memref<32x2x8x128xf32, #tpu.memory_space<vmem>>, vector<16xf32>,
        tpu.vector_store %arg7[%parallel_loop3A_305, %parallel_loop3A_306, %parallel_loop3A_307, %parallel_loop3A_308], %parallel_loop3A_302 {strides = array<i32>} : memref<32x2x8x128xf32, #tpu.memory_space<vmem>>, vector<16xf32>,
        %parallel_loop3A_310 = arith.constant 12 : i32
        %parallel_loop3A_311 = arith.addi %shift_left3A_120, %parallel_loop3A_310 : i32
        %parallel_loop3A_312 = arith.constant 968 : i32
        %parallel_loop3A_313 = arith.muli %parallel_loop3A_311, %parallel_loop3A_312 : i32
        %parallel_loop3A_314 = tpu.memref_slice %arg5[%parallel_loop3A_313] : memref<30976xf32, #tpu.memory_space<vmem>> -> memref<961xf32, #tpu.memory_space<vmem>>
        %parallel_loop3A_315 = tpu.vector_load_idx %parallel_loop3A_314[%parallel_loop3A_153] : memref<961xf32, #tpu.memory_space<vmem>>[vector<16xi32>], vector<16xf32>,
        %parallel_loop3A_316 = arith.constant 12 : i32
        %parallel_loop3A_317 = arith.addi %shift_left3A_120, %parallel_loop3A_316 : i32
        %parallel_loop3A_318 = arith.index_cast %parallel_loop3A_317 : i32 to index
        %parallel_loop3A_319 = arith.index_cast %and3A_121 : i32 to index
        %parallel_loop3A_320 = arith.index_cast %parallel_loop3A_143 : i32 to index
        %parallel_loop3A_321 = arith.index_cast %parallel_loop3A_147 : i32 to index
        %parallel_loop3A_322 = tpu.vector_load %arg7[%parallel_loop3A_318, %parallel_loop3A_319, %parallel_loop3A_320, %parallel_loop3A_321] {strides = array<i32>} : memref<32x2x8x128xf32, #tpu.memory_space<vmem>>, vector<16xf32>,
        tpu.vector_store %arg7[%parallel_loop3A_318, %parallel_loop3A_319, %parallel_loop3A_320, %parallel_loop3A_321], %parallel_loop3A_315 {strides = array<i32>} : memref<32x2x8x128xf32, #tpu.memory_space<vmem>>, vector<16xf32>,
        %parallel_loop3A_323 = arith.constant 13 : i32
        %parallel_loop3A_324 = arith.addi %shift_left3A_120, %parallel_loop3A_323 : i32
        %parallel_loop3A_325 = arith.constant 968 : i32
        %parallel_loop3A_326 = arith.muli %parallel_loop3A_324, %parallel_loop3A_325 : i32
        %parallel_loop3A_327 = tpu.memref_slice %arg5[%parallel_loop3A_326] : memref<30976xf32, #tpu.memory_space<vmem>> -> memref<961xf32, #tpu.memory_space<vmem>>
        %parallel_loop3A_328 = tpu.vector_load_idx %parallel_loop3A_327[%parallel_loop3A_153] : memref<961xf32, #tpu.memory_space<vmem>>[vector<16xi32>], vector<16xf32>,
        %parallel_loop3A_329 = arith.constant 13 : i32
        %parallel_loop3A_330 = arith.addi %shift_left3A_120, %parallel_loop3A_329 : i32
        %parallel_loop3A_331 = arith.index_cast %parallel_loop3A_330 : i32 to index
        %parallel_loop3A_332 = arith.index_cast %and3A_121 : i32 to index
        %parallel_loop3A_333 = arith.index_cast %parallel_loop3A_143 : i32 to index
        %parallel_loop3A_334 = arith.index_cast %parallel_loop3A_147 : i32 to index
        %parallel_loop3A_335 = tpu.vector_load %arg7[%parallel_loop3A_331, %parallel_loop3A_332, %parallel_loop3A_333, %parallel_loop3A_334] {strides = array<i32>} : memref<32x2x8x128xf32, #tpu.memory_space<vmem>>, vector<16xf32>,
        tpu.vector_store %arg7[%parallel_loop3A_331, %parallel_loop3A_332, %parallel_loop3A_333, %parallel_loop3A_334], %parallel_loop3A_328 {strides = array<i32>} : memref<32x2x8x128xf32, #tpu.memory_space<vmem>>, vector<16xf32>,
        %parallel_loop3A_336 = arith.constant 14 : i32
        %parallel_loop3A_337 = arith.addi %shift_left3A_120, %parallel_loop3A_336 : i32
        %parallel_loop3A_338 = arith.constant 968 : i32
        %parallel_loop3A_339 = arith.muli %parallel_loop3A_337, %parallel_loop3A_338 : i32
        %parallel_loop3A_340 = tpu.memref_slice %arg5[%parallel_loop3A_339] : memref<30976xf32, #tpu.memory_space<vmem>> -> memref<961xf32, #tpu.memory_space<vmem>>
        %parallel_loop3A_341 = tpu.vector_load_idx %parallel_loop3A_340[%parallel_loop3A_153] : memref<961xf32, #tpu.memory_space<vmem>>[vector<16xi32>], vector<16xf32>,
        %parallel_loop3A_342 = arith.constant 14 : i32
        %parallel_loop3A_343 = arith.addi %shift_left3A_120, %parallel_loop3A_342 : i32
        %parallel_loop3A_344 = arith.index_cast %parallel_loop3A_343 : i32 to index
        %parallel_loop3A_345 = arith.index_cast %and3A_121 : i32 to index
        %parallel_loop3A_346 = arith.index_cast %parallel_loop3A_143 : i32 to index
        %parallel_loop3A_347 = arith.index_cast %parallel_loop3A_147 : i32 to index
        %parallel_loop3A_348 = tpu.vector_load %arg7[%parallel_loop3A_344, %parallel_loop3A_345, %parallel_loop3A_346, %parallel_loop3A_347] {strides = array<i32>} : memref<32x2x8x128xf32, #tpu.memory_space<vmem>>, vector<16xf32>,
        tpu.vector_store %arg7[%parallel_loop3A_344, %parallel_loop3A_345, %parallel_loop3A_346, %parallel_loop3A_347], %parallel_loop3A_341 {strides = array<i32>} : memref<32x2x8x128xf32, #tpu.memory_space<vmem>>, vector<16xf32>,
        %parallel_loop3A_349 = arith.constant 15 : i32
        %parallel_loop3A_350 = arith.addi %shift_left3A_120, %parallel_loop3A_349 : i32
        %parallel_loop3A_351 = arith.constant 968 : i32
        %parallel_loop3A_352 = arith.muli %parallel_loop3A_350, %parallel_loop3A_351 : i32
        %parallel_loop3A_353 = tpu.memref_slice %arg5[%parallel_loop3A_352] : memref<30976xf32, #tpu.memory_space<vmem>> -> memref<961xf32, #tpu.memory_space<vmem>>
        %parallel_loop3A_354 = tpu.vector_load_idx %parallel_loop3A_353[%parallel_loop3A_153] : memref<961xf32, #tpu.memory_space<vmem>>[vector<16xi32>], vector<16xf32>,
        %parallel_loop3A_355 = arith.constant 15 : i32
        %parallel_loop3A_356 = arith.addi %shift_left3A_120, %parallel_loop3A_355 : i32
        %parallel_loop3A_357 = arith.index_cast %parallel_loop3A_356 : i32 to index
        %parallel_loop3A_358 = arith.index_cast %and3A_121 : i32 to index
        %parallel_loop3A_359 = arith.index_cast %parallel_loop3A_143 : i32 to index
        %parallel_loop3A_360 = arith.index_cast %parallel_loop3A_147 : i32 to index
        %parallel_loop3A_361 = tpu.vector_load %arg7[%parallel_loop3A_357, %parallel_loop3A_358, %parallel_loop3A_359, %parallel_loop3A_360] {strides = array<i32>} : memref<32x2x8x128xf32, #tpu.memory_space<vmem>>, vector<16xf32>,
        tpu.vector_store %arg7[%parallel_loop3A_357, %parallel_loop3A_358, %parallel_loop3A_359, %parallel_loop3A_360], %parallel_loop3A_354 {strides = array<i32>} : memref<32x2x8x128xf32, #tpu.memory_space<vmem>>, vector<16xf32>,
      } {sc.loop_unroll_factor = 2 : i64, sc.parallel_access}
      %mul3A_126 = arith.constant 2 : i32
      %mul3A_127 = arith.muli %add3A, %mul3A_126 : i32
      %add3A_128 = arith.addi %mul3A_127, %and3A_121 : i32
      %dma_start3A_129 = arith.constant 0 : i32
      %dma_start3A_130 = arith.constant 0 : i32
      %dma_start3A_131 = tpu.memref_slice %arg7[%shift_left3A_120, %and3A_121, %dma_start3A_129, %dma_start3A_130] : memref<32x2x8x128xf32, #tpu.memory_space<vmem>> -> memref<16x1x8x128xf32, #tpu.memory_space<vmem>>
      %dma_start3A_132 = arith.constant 0 : i32
      %dma_start3A_133 = arith.constant 0 : i32
      %dma_start3A_134 = tpu.memref_slice %arg4[%shift_left3A_120, %add3A_128, %dma_start3A_132, %dma_start3A_133] : memref<32x64x8x128xf32, #tpu.memory_space<hbm>> -> memref<16x1x8x128xf32, #tpu.memory_space<hbm>>
      %dma_start3A_135 = arith.constant 0 : i32
      %dma_start3A_136 = arith.constant 0 : i32
      %dma_start3A_137 = tpu.memref_slice %arg4[%shift_left3A_120, %add3A_128, %dma_start3A_135, %dma_start3A_136] : memref<32x64x8x128xf32, #tpu.memory_space<hbm>> -> memref<16x1x8x128xf32, #tpu.memory_space<hbm>>
      %dma_start3A_138 = arith.constant 0 : i32
      %dma_start3A_139 = arith.constant 0 : i32
      %dma_start3A_140 = tpu.memref_slice %arg7[%shift_left3A_120, %and3A_121, %dma_start3A_138, %dma_start3A_139] : memref<32x2x8x128xf32, #tpu.memory_space<vmem>> -> memref<16x1x8x128xf32, #tpu.memory_space<vmem>>
      tpu.enqueue_dma source(%dma_start3A_140 : memref<16x1x8x128xf32, #tpu.memory_space<vmem>>) target(%dma_start3A_137 : memref<16x1x8x128xf32, #tpu.memory_space<hbm>>) target_semaphore(%arg11 : memref<!tpu.dma_semaphore, #tpu.memory_space<semaphore_mem>>)
    }
    %scan3A_37 = arith.constant 4 : i32
    %dma_wait3A_38 = arith.constant 0 : i32
    %dma_wait3A_39 = arith.constant 0 : i32
    %dma_wait3A_40 = arith.constant 0 : i32
    %dma_wait3A_41 = arith.constant 0 : i32
    %dma_wait3A_42 = tpu.memref_slice %arg7[%dma_wait3A_38, %dma_wait3A_39, %dma_wait3A_40, %dma_wait3A_41] : memref<32x2x8x128xf32, #tpu.memory_space<vmem>> -> memref<16x1x8x128xf32, #tpu.memory_space<vmem>>
    %dma_wait3A_43 = arith.constant 0 : i32
    %dma_wait3A_44 = arith.constant 0 : i32
    %dma_wait3A_45 = arith.constant 0 : i32
    %dma_wait3A_46 = arith.constant 0 : i32
    %dma_wait3A_47 = tpu.memref_slice %arg4[%dma_wait3A_43, %dma_wait3A_44, %dma_wait3A_45, %dma_wait3A_46] : memref<32x64x8x128xf32, #tpu.memory_space<hbm>> -> memref<16x1x8x128xf32, #tpu.memory_space<hbm>>
    %dma_wait3A_48 = arith.constant 0 : i32
    %dma_wait3A_49 = arith.constant 0 : i32
    %dma_wait3A_50 = arith.constant 0 : i32
    %dma_wait3A_51 = arith.constant 0 : i32
    %dma_wait3A_52 = tpu.memref_slice %arg7[%dma_wait3A_48, %dma_wait3A_49, %dma_wait3A_50, %dma_wait3A_51] : memref<32x2x8x128xf32, #tpu.memory_space<vmem>> -> memref<16x1x8x128xf32, #tpu.memory_space<vmem>>
    %dma_wait3A_53 = arith.constant 0 : i32
    %dma_wait3A_54 = arith.constant 0 : i32
    %dma_wait3A_55 = arith.constant 0 : i32
    %dma_wait3A_56 = arith.constant 0 : i32
    %dma_wait3A_57 = tpu.memref_slice %arg4[%dma_wait3A_53, %dma_wait3A_54, %dma_wait3A_55, %dma_wait3A_56] : memref<32x64x8x128xf32, #tpu.memory_space<hbm>> -> memref<16x1x8x128xf32, #tpu.memory_space<hbm>>
    tpu.wait_dma2 semaphore(%arg11 : memref<!tpu.dma_semaphore, #tpu.memory_space<semaphore_mem>>) src(%dma_wait3A_57 : memref<16x1x8x128xf32, #tpu.memory_space<hbm>>) dst(%dma_wait3A_52 : memref<16x1x8x128xf32, #tpu.memory_space<vmem>>)
    %dma_wait3A_58 = arith.constant 0 : i32
    %dma_wait3A_59 = arith.constant 0 : i32
    %dma_wait3A_60 = arith.constant 0 : i32
    %dma_wait3A_61 = arith.constant 0 : i32
    %dma_wait3A_62 = tpu.memref_slice %arg7[%dma_wait3A_58, %dma_wait3A_59, %dma_wait3A_60, %dma_wait3A_61] : memref<32x2x8x128xf32, #tpu.memory_space<vmem>> -> memref<16x1x8x128xf32, #tpu.memory_space<vmem>>
    %dma_wait3A_63 = arith.constant 0 : i32
    %dma_wait3A_64 = arith.constant 0 : i32
    %dma_wait3A_65 = arith.constant 0 : i32
    %dma_wait3A_66 = arith.constant 0 : i32
    %dma_wait3A_67 = tpu.memref_slice %arg4[%dma_wait3A_63, %dma_wait3A_64, %dma_wait3A_65, %dma_wait3A_66] : memref<32x64x8x128xf32, #tpu.memory_space<hbm>> -> memref<16x1x8x128xf32, #tpu.memory_space<hbm>>
    %dma_wait3A_68 = arith.constant 0 : i32
    %dma_wait3A_69 = arith.constant 0 : i32
    %dma_wait3A_70 = arith.constant 0 : i32
    %dma_wait3A_71 = arith.constant 0 : i32
    %dma_wait3A_72 = tpu.memref_slice %arg7[%dma_wait3A_68, %dma_wait3A_69, %dma_wait3A_70, %dma_wait3A_71] : memref<32x2x8x128xf32, #tpu.memory_space<vmem>> -> memref<16x1x8x128xf32, #tpu.memory_space<vmem>>
    %dma_wait3A_73 = arith.constant 0 : i32
    %dma_wait3A_74 = arith.constant 0 : i32
    %dma_wait3A_75 = arith.constant 0 : i32
    %dma_wait3A_76 = arith.constant 0 : i32
    %dma_wait3A_77 = tpu.memref_slice %arg4[%dma_wait3A_73, %dma_wait3A_74, %dma_wait3A_75, %dma_wait3A_76] : memref<32x64x8x128xf32, #tpu.memory_space<hbm>> -> memref<16x1x8x128xf32, #tpu.memory_space<hbm>>
    tpu.wait_dma2 semaphore(%arg11 : memref<!tpu.dma_semaphore, #tpu.memory_space<semaphore_mem>>) src(%dma_wait3A_77 : memref<16x1x8x128xf32, #tpu.memory_space<hbm>>) dst(%dma_wait3A_72 : memref<16x1x8x128xf32, #tpu.memory_space<vmem>>)
    %dma_wait3A_78 = arith.constant 0 : i32
    %dma_wait3A_79 = arith.constant 0 : i32
    %dma_wait3A_80 = arith.constant 0 : i32
    %dma_wait3A_81 = arith.constant 0 : i32
    %dma_wait3A_82 = tpu.memref_slice %arg7[%dma_wait3A_78, %dma_wait3A_79, %dma_wait3A_80, %dma_wait3A_81] : memref<32x2x8x128xf32, #tpu.memory_space<vmem>> -> memref<16x1x8x128xf32, #tpu.memory_space<vmem>>
    %dma_wait3A_83 = arith.constant 0 : i32
    %dma_wait3A_84 = arith.constant 0 : i32
    %dma_wait3A_85 = arith.constant 0 : i32
    %dma_wait3A_86 = arith.constant 0 : i32
    %dma_wait3A_87 = tpu.memref_slice %arg4[%dma_wait3A_83, %dma_wait3A_84, %dma_wait3A_85, %dma_wait3A_86] : memref<32x64x8x128xf32, #tpu.memory_space<hbm>> -> memref<16x1x8x128xf32, #tpu.memory_space<hbm>>
    %dma_wait3A_88 = arith.constant 0 : i32
    %dma_wait3A_89 = arith.constant 0 : i32
    %dma_wait3A_90 = arith.constant 0 : i32
    %dma_wait3A_91 = arith.constant 0 : i32
    %dma_wait3A_92 = tpu.memref_slice %arg7[%dma_wait3A_88, %dma_wait3A_89, %dma_wait3A_90, %dma_wait3A_91] : memref<32x2x8x128xf32, #tpu.memory_space<vmem>> -> memref<16x1x8x128xf32, #tpu.memory_space<vmem>>
    %dma_wait3A_93 = arith.constant 0 : i32
    %dma_wait3A_94 = arith.constant 0 : i32
    %dma_wait3A_95 = arith.constant 0 : i32
    %dma_wait3A_96 = arith.constant 0 : i32
    %dma_wait3A_97 = tpu.memref_slice %arg4[%dma_wait3A_93, %dma_wait3A_94, %dma_wait3A_95, %dma_wait3A_96] : memref<32x64x8x128xf32, #tpu.memory_space<hbm>> -> memref<16x1x8x128xf32, #tpu.memory_space<hbm>>
    tpu.wait_dma2 semaphore(%arg11 : memref<!tpu.dma_semaphore, #tpu.memory_space<semaphore_mem>>) src(%dma_wait3A_97 : memref<16x1x8x128xf32, #tpu.memory_space<hbm>>) dst(%dma_wait3A_92 : memref<16x1x8x128xf32, #tpu.memory_space<vmem>>)
    %dma_wait3A_98 = arith.constant 0 : i32
    %dma_wait3A_99 = arith.constant 0 : i32
    %dma_wait3A_100 = arith.constant 0 : i32
    %dma_wait3A_101 = arith.constant 0 : i32
    %dma_wait3A_102 = tpu.memref_slice %arg7[%dma_wait3A_98, %dma_wait3A_99, %dma_wait3A_100, %dma_wait3A_101] : memref<32x2x8x128xf32, #tpu.memory_space<vmem>> -> memref<16x1x8x128xf32, #tpu.memory_space<vmem>>
    %dma_wait3A_103 = arith.constant 0 : i32
    %dma_wait3A_104 = arith.constant 0 : i32
    %dma_wait3A_105 = arith.constant 0 : i32
    %dma_wait3A_106 = arith.constant 0 : i32
    %dma_wait3A_107 = tpu.memref_slice %arg4[%dma_wait3A_103, %dma_wait3A_104, %dma_wait3A_105, %dma_wait3A_106] : memref<32x64x8x128xf32, #tpu.memory_space<hbm>> -> memref<16x1x8x128xf32, #tpu.memory_space<hbm>>
    %dma_wait3A_108 = arith.constant 0 : i32
    %dma_wait3A_109 = arith.constant 0 : i32
    %dma_wait3A_110 = arith.constant 0 : i32
    %dma_wait3A_111 = arith.constant 0 : i32
    %dma_wait3A_112 = tpu.memref_slice %arg7[%dma_wait3A_108, %dma_wait3A_109, %dma_wait3A_110, %dma_wait3A_111] : memref<32x2x8x128xf32, #tpu.memory_space<vmem>> -> memref<16x1x8x128xf32, #tpu.memory_space<vmem>>
    %dma_wait3A_113 = arith.constant 0 : i32
    %dma_wait3A_114 = arith.constant 0 : i32
    %dma_wait3A_115 = arith.constant 0 : i32
    %dma_wait3A_116 = arith.constant 0 : i32
    %dma_wait3A_117 = tpu.memref_slice %arg4[%dma_wait3A_113, %dma_wait3A_114, %dma_wait3A_115, %dma_wait3A_116] : memref<32x64x8x128xf32, #tpu.memory_space<hbm>> -> memref<16x1x8x128xf32, #tpu.memory_space<hbm>>
    tpu.wait_dma2 semaphore(%arg11 : memref<!tpu.dma_semaphore, #tpu.memory_space<semaphore_mem>>) src(%dma_wait3A_117 : memref<16x1x8x128xf32, #tpu.memory_space<hbm>>) dst(%dma_wait3A_112 : memref<16x1x8x128xf32, #tpu.memory_space<vmem>>)
    return
  }
}

</mosaic_0001>

<sc_bundles>
// kernel: kernel.3.cloned.1.call-start
scs
__scs_entry_jumppad:
0x0: {  	(pc) =	sbr.rel $0x88, $3  }
0x1: {  	(tag) =	ssettag $0x0;
	lr =	simm.s32 $0x1  }
0x2: {  	[smem:$0x3F9F] =	sst lr;
	_ =	strace $0xD0000000  }
0x3: {  	_ = 	snop  }
0x4: {  	_ = 	snop  }
0x5: {  	_ = 	snop  }
0x6: {  	_ = 	snop  }
0x7: {  	_ = 	snop  }
__scs_overlays_trampoline_lowered:
0x8: {  	[smem:$0x3FAE] =	sst s0  }
0x9: {  	[smem:$0x3FAF] =	sst s1  }
0xa: {  	[smem:$0x3FB0] =	sst s2  }
0xb: {  	[smem:$0x3FB1] =	sst s3  }
0xc: {  	[smem:$0x3FB2] =	sst s4  }
0xd: {  	[smem:$0x3FB3] =	sst s5  }
0xe: {  	[smem:$0x3FB4] =	sst s6  }
0xf: {  	[smem:$0x3FB5] =	sst s7  }
0x10: {  	[smem:$0x3FB6] =	sst s8  }
0x11: {  	[smem:$0x3FB7] =	sst s9;
	s0 =	simm.s32 @!p0 $0x0  }
0x12: {  	s1 =	sld [smem:$0x3F9D];
	s0 =	simm.s32 @p0 $0x1  }
0x13: {  	[smem:$0x3FB8] =	sst s0;
	s0 =	simm.s32 @!p1 $0x0  }
0x14: {  	s2 =	sld [smem:$0x3F9C];
	s0 =	simm.s32 @p1 $0x1  }
0x15: {  	[smem:$0x3FB9] =	sst s0;
	s0 =	simm.s32 @!p2 $0x0  }
0x16: {  	s3 =	sld [smem:$0x3FDB];
	s0 =	simm.s32 @p2 $0x1  }
0x17: {  	s4 =	simm.s32 $0x1BF5;
	[smem:$0x3FBB] =	sst s0  }
0x18: {  	s0 =	sld [smem:$0x3F9E];
	_ =	swait.ge [sflag:s4], $0x0  }
0x19: {  	s7 =	sld [smem:$0x3F9F]  }
0x1a: {  	s8 =	sadd.s32 $0xFFFFE003, lr  }
0x1b: {  	s9 =	sadd.s32 $0xFFFFFEF7, lr;
	s5 =	simm.s32 $0xFFFFFFFF;
	p2 =	slt.u32 s8, $0xFFFFF086  }
0x1c: {  	p1 =	slt.u32 s9, $0xF7A;
	s5 =	simm.s32 @!p2 $0x0  }
0x1d: {  	s5 =	simm.s32 @p1 $0x1;
	p0 =	seq.s32 s7, s2  }
0x1e: {  	s7 =	smul.u32 @!p0 $0xF7A, s2;
	p2 =	seq.s32 @!p0 s5, $0x0  }
0x1f: {  	s9 =	smul.u32 $0xF7A, s1;
	s8 =	simm.s32 @!p0 $0x1BF5;
	p2 =	por !p2, p0  }
0x20: {  	[sflag:s8] =	ssyncset.s32 @!p0 $0xFFFFF086;
	s6 =	sadd.s32 @!p0 s3, s7;
	s7 =	simm.s32 @!p0 $0x108  }
0x21: {  	s3 =	sadd.s32 s3, s9;
	s6 =	sadd.s32 @!p0 $0x88, s6;
	s7 =	simm.s32 @p2 $0x1082  }
0x22: {  	[simem:s7], [sflag:s8] =	dma.local @!p0 [hbm:s6], $0xF7A  }
0x23: {  	s9 =	sor.u32 $0xD0000000, s2;
	s6 =	simm.s32 $0x108;
	_ =	swait.ge @!p0 [sflag:s8], $0x0  }
0x24: {  	s3 =	sadd.s32 $0x88, s3;
	s6 =	simm.s32 @!p1 $0x1082;
	[sflag:s4] =	ssyncset.s32 $0xFFFFF086  }
0x25: {  	[simem:s6], [sflag:s4] =	dma.local [hbm:s3], $0xF7A  }
0x26: {  	[smem:$0x3F9F] =	sst s1;
	(tag) =	ssettag s2;
	_ =	strace s9  }
0x27: {  	s1 =	sld [smem:$0x3FAF]  }
0x28: {  	s2 =	sld [smem:$0x3FB0]  }
0x29: {  	s4 =	sld [smem:$0x3FB2]  }
0x2a: {  	p0 =	seq.s32 s5, $0x0;
	s5 =	sld [smem:$0x3FB3]  }
0x2b: {  	s6 =	sld [smem:$0x3FB4]  }
0x2c: {  	s7 =	sld [smem:$0x3FB5]  }
0x2d: {  	s3 =	simm.s32 $0x108;
	s8 =	sld [smem:$0x3FB6]  }
0x2e: {  	s3 =	simm.s32 @!p0 $0x1082;
	s9 =	sld [smem:$0x3FB7]  }
0x2f: {  	lr =	sadd.s32 s0, s3;
	s0 =	sld [smem:$0x3FAE]  }
0x30: {  	s3 =	sld [smem:$0x3FB1]  }
0x31: {  	[smem:$0x3FBA] =	sst s10  }
0x32: {  	s10 =	sld [smem:$0x3FB8];
	_ =	sdelay $0x3  }
0x33: {  	p0 =	seq.s32 s10, $0x1;
	s10 =	sld [smem:$0x3FBA];
	_ =	sdelay $0x3  }
0x34: {  	[smem:$0x3FBA] =	sst s10  }
0x35: {  	s10 =	sld [smem:$0x3FB9];
	_ =	sdelay $0x3  }
0x36: {  	p1 =	seq.s32 s10, $0x1;
	s10 =	sld [smem:$0x3FBA];
	_ =	sdelay $0x3  }
0x37: {  	[smem:$0x3FBA] =	sst s10  }
0x38: {  	s10 =	sld [smem:$0x3FBB]  }
0x39: {  	_ = 	snop;
	(pc) =	sbr.ind lr, $3  }
0x3a: {  	_ = 	snop  }
0x3b: {  	_ = 	snop  }
0x3c: {  	p2 =	seq.s32 s10, $0x1;
	s10 =	sld [smem:$0x3FBA]  }
0x3d: {  	_ =	shalt  }
0x3e: {  	_ =	shalt  }
0x3f: {  	_ =	shalt  }
0x40: {  	_ =	shalt  }
0x41: {  	_ =	shalt  }
0x42: {  	_ =	shalt  }
0x43: {  	_ =	shalt  }
0x44: {  	_ =	shalt  }
0x45: {  	_ =	shalt  }
0x46: {  	_ =	shalt  }
0x47: {  	_ =	shalt  }
0x48: {  	_ =	shalt  }
0x49: {  	_ =	shalt  }
0x4a: {  	_ =	shalt  }
0x4b: {  	_ =	shalt  }
0x4c: {  	_ =	shalt  }
0x4d: {  	_ =	shalt  }
0x4e: {  	_ =	shalt  }
0x4f: {  	_ =	shalt  }
0x50: {  	_ =	shalt  }
0x51: {  	_ =	shalt  }
0x52: {  	_ =	shalt  }
0x53: {  	_ =	shalt  }
0x54: {  	_ =	shalt  }
0x55: {  	_ =	shalt  }
0x56: {  	_ =	shalt  }
0x57: {  	_ =	shalt  }
0x58: {  	_ =	shalt  }
0x59: {  	_ =	shalt  }
0x5a: {  	_ =	shalt  }
0x5b: {  	_ =	shalt  }
0x5c: {  	_ =	shalt  }
0x5d: {  	_ =	shalt  }
0x5e: {  	_ =	shalt  }
0x5f: {  	_ =	shalt  }
0x60: {  	_ =	shalt  }
0x61: {  	_ =	shalt  }
0x62: {  	_ =	shalt  }
0x63: {  	_ =	shalt  }
0x64: {  	_ =	shalt  }
0x65: {  	_ =	shalt  }
0x66: {  	_ =	shalt  }
0x67: {  	_ =	shalt  }
0x68: {  	_ =	shalt  }
0x69: {  	_ =	shalt  }
0x6a: {  	_ =	shalt  }
0x6b: {  	_ =	shalt  }
0x6c: {  	_ =	shalt  }
0x6d: {  	_ =	shalt  }
0x6e: {  	_ =	shalt  }
0x6f: {  	_ =	shalt  }
0x70: {  	_ =	shalt  }
0x71: {  	_ =	shalt  }
0x72: {  	_ =	shalt  }
0x73: {  	_ =	shalt  }
0x74: {  	_ =	shalt  }
0x75: {  	_ =	shalt  }
0x76: {  	_ =	shalt  }
0x77: {  	_ =	shalt  }
0x78: {  	_ =	shalt  }
0x79: {  	_ =	shalt  }
0x7a: {  	_ =	shalt  }
0x7b: {  	_ =	shalt  }
0x7c: {  	_ =	shalt  }
0x7d: {  	_ =	shalt  }
0x7e: {  	_ =	shalt  }
0x7f: {  	_ =	shalt  }
0x80: {  	_ =	shalt  }
0x81: {  	_ =	shalt  }
0x82: {  	_ =	shalt  }
0x83: {  	_ =	shalt  }
0x84: {  	_ =	shalt  }
0x85: {  	_ =	shalt  }
0x86: {  	_ =	shalt  }
0x87: {  	_ =	shalt  }
.Lfunc_end0:
.L_simem_size_0:
called_computation_lowered:
.L_overlay_start_0:
0x88: {  	s2 =	sld [smem:$0x3FD9]  }
0x89: {  	s3 =	sld [smem:$0x3FFE];
	_ =	sdelay $0x1  }
0x8a: {  	s1 =	srdreg.scid  }
0x8b: {  	s0 =	sand.u32 $0x1, s1  }
0x8c: {  	s17 =	sshll.u32 s0, $0xA;
	s2 =	sadd.s32 s3, s2  }
0x8d: {  	s2 =	sadd.s32 s2, s17  }
0x8e: {  	[smem:$0x3FC6] =	sst s2  }
0x8f: {  	_ = 	snop  }
0x90: {  	s2 =	sld [smem:$0x3FC8]  }
0x91: {  	s18 =	sld [smem:$0x3FD0];
	(tm) =	ssettm $0x1  }
0x92: {  	s4 =	sld [smem:$0x3FFB];
	_ =	sdelay $0x3  }
0x93: {  	_ =	strace s4  }
0x94: {  	s4 =	sld [smem:$0x3FFC];
	_ =	sdelay $0x3  }
0x95: {  	_ =	strace s4  }
0x96: {  	s4 =	sld [smem:$0x3FFD];
	_ =	sdelay $0x3  }
0x97: {  	_ =	strace s4  }
0x98: {  	_ =	strace $0x8FFFFFFF  }
0x99: {  	s19 =	sld [smem:$0x3FDB];
	_ =	sdelay $0x1  }
0x9a: {  	s5 =	simm.s32 $_scs_section_size  }
0x9b: {  	s6 =	simm.s32 $_size__tile_overlayer_lowered;
	s7 =	simm.s32 $_tile_overlayer_lowered  }
0x9c: {  	s22 =	simm.s32 $0x1BFF;
	s21 =	sshll.u32 s7, $0x1;
	s4 =	sadd.s32 s5, s19  }
0x9d: {  	s8 =	simm.s32 $0x0;
	s20 =	sshll.u32 s6, $0x1;
	s6 =	sadd.s32 s21, s4  }
0x9e: {  	[timem:s8], [sflag:s22] =	dma.local [hbm:s6], s20  }
0x9f: {  	_ =	swait.ge [sflag:s22], s20  }
0xa0: {  	s5 =	ssub.s32 $0x0, s20;
	[sflag:s22] =	ssyncset.done $0x0  }
0xa1: {  	[sflag:s22] =	ssyncadd.s32 s5;
	_ =	sdelay $0x1  }
0xa2: {  	s23 =	simm.s32 $0x1B8B  }
0xa3: {  	_ =	swait.ge [sflag:s23], $0x1  }
0xa4: {  	[sflag:s23] =	ssyncset.done $0x0  }
0xa5: {  	s25 =	simm.s32 $0x1B8E;
	s24 =	sld [smem:$0x3FFE];
	[sflag:s23] =	ssyncadd.s32 $0xFFFFFFFF  }
0xa6: {  	s26 =	simm.s32 $execute0_lowered;
	[smem:$0x3FD2] =	sst s25  }
0xa7: {  	s6 =	sshll.u32 s26, $0x1;
	_ =	strace $0x80000046;
	[dreg:$0x1] =	wrdreg $0xFFFFFFFF  }
0xa8: {  	s28 =	simm.s32 $_size_execute0_lowered;
	s4 =	sadd.s32 s4, s6;
	[dreg:$0x0] =	wrdreg $0x0  }
0xa9: {  	s6 =	sshll.u32 s28, $0x1;
	[dreg:$0x2] =	wrdreg s4  }
0xaa: {  	[dreg:$0x3] =	wrdreg s6  }
0xab: {  	[dreg:$0x4] =	wrdreg $0xC0  }
0xac: {  	_ =	task [dreg:s8], $0x5FFFF  }
0xad: {  	[dreg:$0x1] =	wrdreg $0xFFFFFFFF  }
0xae: {  	[dreg:$0x0] =	wrdreg $0x60  }
0xaf: {  	[dreg:$0x2] =	wrdreg s24  }
0xb0: {  	[dreg:$0x3] =	wrdreg s2  }
0xb1: {  	[dreg:$0x4] =	wrdreg s18  }
0xb2: {  	[dreg:$0x5] =	wrdreg $0x9  }
0xb3: {  	_ =	task.clear_ibuf [dreg:s8], $0x6FFFF;
	_ =	strace $0x90000046  }
0xb4: {  	s29 =	simm.s32 $0x9;
	_ =	strace $0x80000048  }
0xb5: {  	_ =	swait.ge [sflag:s29], $0x1  }
0xb6: {  	[sflag:s29] =	ssyncadd.s32 $0xFFFFFFFF  }
0xb7: {  	_ =	strace $0x90000048  }
0xb8: {  	_ =	sfence  }
0xb9: {  	s30 =	sld [smem:$0x0];
	_ =	sdelay $0x2  }
0xba: {  	s31 =	sshll.u32 s1, $0xD;
	s1 =	sshrl.u32 s1, $0x2  }
0xbb: {  	s3 =	sand.u32 $0x4000, s31;
	s1 =	sadd.s32 s1, s30  }
0xbc: {  	s0 =	sor.u32 s3, s0;
	s1 =	sshll.u32 s1, $0x11  }
0xbd: {  	s0 =	sor.u32 s1, s0  }
0xbe: {  	s0 =	sadd.s32 $0x8F2B, s0  }
0xbf: {  	[sflag:s0] =	ssyncadd.remote.s32 $0x1  }
0xc0: {  	_ =	sfence.sel $0xFFFF  }
0xc1: {  	[dreg:$0x0] =	wrdreg $0xFFFFFFFF;
	(pc) =	sbr.abs _section_cstart, $3  }
0xc2: {  	[dreg:$0x1] =	wrdreg $0xFFFFFFFF  }
0xc3: {  	_ =	task.clear_ibuf [dreg:s8], $0x2FFFF;
	_ =	strace $0x9FFFFFFF  }
0xc4: {  	(tm) =	ssettm $0x7FFFFFFF  }
0xc5: {  	_ =	shalt  }
tec
execute0_lowered:
.L_overlay_start_1:
0x0: {  	(tag) =	ssettag $0x1  }
0x1: {  	s0 =	rddreg [dreg:$0x0]  }
0x2: {  	s1 =	rddreg [dreg:$0x1]  }
0x3: {  	s2 =	rddreg [dreg:$0x2];
	s4 =	simm.s32 $0x0;
	s3 =	srdreg.scid  }
0x4: {  	s5 =	stileid.u32;
	[smem:$0x7FF] =	sst s4  }
0x5: {  	s3 =	sand.u32 $0x1, s3;
	s5 =	sshll.u32 s5, $0x9;
	s29 =	sadd.s32 $0x400, s0  }
0x6: {  	s0 =	sadd.s32 $0xB90, s0;
	s28 =	ssub.s32 $0x2, s3;
	s3 =	sshll.u32 s3, $0x8  }
0x7: {  	_ =	strace $0x80000047;
	[smem:$0x7F9] =	sst s29;
	s3 =	sor.u32 s3, s5  }
0x8: {  	[smem:$0x7FB] =	sst s0;
	s6 =	sshrl.u32 s28, $0x1;
	s1 =	sadd.s32 s1, s3  }
0x9: {  	s4 =	ssub.s32 s28, s6;
	s30 =	sadd.s32 s2, s3;
	[smem:$0x7FA] =	sst s1  }
0xa: {  	[smem:$0x7FC] =	sst s30;
	s31 =	smax.u32 s4, $0x1  }
0xb: {  	s2 =	simm.s32 $0x0;
	[smem:$0x7FD] =	sst s31  }
.LBB2_1:
0xc: {  	s1 =	sld [smem:$0x7FA];
	_ =	sdelay $0x1  }
0xd: {  	s0 =	simm.s32 $0x0;
	s25 =	simm.s32 $0x7900;
	s26 =	sld [smem:$0x7F9]  }
0xe: {  	[tilespmem:s25], [sflag:$0x3] =	stream.linear.gather [hbm4b:s1+s0], $0x800, $0x38;
	[tilespmem:$0x18100] =	vst v63  }
0xf: {  	s28 =	sld [smem:$0x7FB]  }
0x10: {  	[tilespmem:s0], [sflag:$0x1] =	stream.linear.gather [hbm4b:s26+s0], $0x3C80, $0x38;
	[tilespmem:$0x18100] =	vst v63  }
0x11: {  	[smem:$0x7F8] =	sst s2;
	s29 =	simm.s32 $0x3C80;
	s30 =	simm.s32 $0x3  }
0x12: {  	[tilespmem:s29], [sflag:$0x2] =	stream.linear.gather [hbm4b:s28+s0], $0x3C80, $0x38;
	[tilespmem:$0x18100] =	vst v63  }
0x13: {  	_ =	swait.ge [sflag:s30], $0x800  }
0x14: {  	[sflag:s30] =	ssyncset.done $0x0  }
0x15: {  	s31 =	simm.s32 $0x1;
	[sflag:s30] =	ssyncadd.s32 $0xFFFFF800  }
0x16: {  	_ =	swait.ge [sflag:s31], $0x3C80  }
0x17: {  	[sflag:s31] =	ssyncset.done $0x0  }
0x18: {  	s1 =	simm.s32 $0x0;
	[sflag:s31] =	ssyncadd.s32 $0xFFFFC380  }
.LBB2_2:
0x19: {  	s2 =	sand.u32 $0x1, s1;
	p0 =	sne.s32 s1, $0x2  }
0x1a: {  	[smem:$0x7EA] =	sst s1;
	s6 =	sshll.u32 s1, $0x3;
	s0 =	sshll.u32 s2, $0xC  }
0x1b: {  	s15 =	simm.s32 @!p0 $0x2;
	s14 =	sand.u32 $0x10, s6;
	s16 =	sshll.u32 s2, $0xA  }
0x1c: {  	s0 =	sshrl.u32 s0, $0x2;
	_ =	swait.ge @!p0 [sflag:s15], $0x3C80;
	s24 =	sshll.u32 s14, $0xD  }
0x1d: {  	s17 =	sor.u32 $0x1, s14;
	s13 =	sor.u32 $0x2, s14;
	[smem:$0x7EB] =	sst s0  }
0x1e: {  	s11 =	sor.u32 $0x3, s14;
	s10 =	sor.u32 $0x4, s14;
	[smem:$0x7EC] =	sst s2  }
0x1f: {  	s9 =	sor.u32 $0x5, s14;
	s0 =	sor.u32 $0x7900, s0;
	[smem:$0x7ED] =	sst s24  }
0x20: {  	s26 =	sshll.u32 s17, $0xB;
	s29 =	sshll.u32 s13, $0xB;
	s3 =	sshll.u32 s11, $0xB  }
0x21: {  	s4 =	sshll.u32 s10, $0xB;
	[dreg:$0x4] =	wrdreg s0;
	s0 =	sshrl.u32 s24, $0x2  }
0x22: {  	s5 =	sshll.u32 s9, $0xB;
	s31 =	sor.u32 s16, s29;
	s25 =	sadd.s32 $0x8100, s0  }
0x23: {  	s8 =	sor.u32 s16, s5;
	s2 =	sadd.s32 $0x8100, s31;
	[smem:$0x7EE] =	sst s25  }
0x24: {  	[sflag:s15] =	ssyncset.done @!p0 $0x0;
	s12 =	sadd.s32 $0x8100, s8;
	[dreg:$0x7] =	wrdreg s2  }
0x25: {  	s5 =	sor.u32 $0x6, s14;
	s31 =	sor.u32 $0xE, s6;
	[dreg:$0xa] =	wrdreg s12  }
0x26: {  	s0 =	sor.u32 s16, s26;
	s1 =	sor.u32 s16, s25;
	[smem:$0x7EF] =	sst s31  }
0x27: {  	s18 =	sshll.u32 s5, $0xB;
	s0 =	sadd.s32 $0x8100, s0;
	[dreg:$0x5] =	wrdreg s1  }
0x28: {  	[dreg:$0x6] =	wrdreg s0;
	s0 =	sor.u32 s16, s3;
	s1 =	sor.u32 s16, s4  }
0x29: {  	s4 =	sor.u32 $0x7, s14;
	s0 =	sadd.s32 $0x8100, s0;
	s7 =	sadd.s32 $0x8100, s1  }
0x2a: {  	s1 =	sor.u32 $0x8, s6;
	s19 =	sshll.u32 s4, $0xB;
	[dreg:$0x8] =	wrdreg s0  }
0x2b: {  	[dreg:$0x9] =	wrdreg s7;
	s0 =	sor.u32 s16, s18;
	s3 =	sshll.u32 s1, $0xB  }
0x2c: {  	s2 =	sor.u32 s16, s19;
	s7 =	sor.u32 $0xA, s6;
	s0 =	sadd.s32 $0x8100, s0  }
0x2d: {  	s3 =	sand.u32 $0x3FFFF800, s3;
	s20 =	sadd.s32 $0x8100, s2;
	s2 =	sor.u32 $0x9, s6  }
0x2e: {  	s8 =	sshll.u32 s7, $0xB;
	[dreg:$0xb] =	wrdreg s0;
	s21 =	sor.u32 s16, s3  }
0x2f: {  	[dreg:$0xc] =	wrdreg s20;
	s23 =	sshll.u32 s2, $0xB;
	s3 =	sor.u32 $0xB, s6  }
0x30: {  	s8 =	sand.u32 $0x3FFFF800, s8;
	s20 =	sshll.u32 s31, $0xB;
	s22 =	sadd.s32 $0x8100, s21  }
0x31: {  	s0 =	sand.u32 $0x3FFFF800, s23;
	s12 =	sshll.u32 s3, $0xB;
	s23 =	rddreg [dreg:$0x4]  }
0x32: {  	s8 =	sor.u32 s16, s8;
	s20 =	sand.u32 $0x3FFFF800, s20;
	[dreg:$0xd] =	wrdreg s22  }
0x33: {  	s0 =	sor.u32 s16, s0;
	s12 =	sand.u32 $0x3FFFF800, s12;
	s24 =	sadd.s32 $0x8100, s8  }
0x34: {  	s8 =	sor.u32 $0xC, s6;
	s20 =	sor.u32 s16, s20;
	s0 =	sadd.s32 $0x8100, s0  }
0x35: {  	s25 =	sor.u32 s16, s12;
	[dreg:$0xf] =	wrdreg s24;
	s29 =	sshll.u32 s8, $0xB  }
0x36: {  	s21 =	sadd.s32 $0x8100, s20;
	s24 =	simm.s32 $0x0;
	[dreg:$0xe] =	wrdreg s0  }
0x37: {  	s26 =	sadd.s32 $0x8100, s25;
	s0 =	sor.u32 $0xD, s6;
	s18 =	sand.u32 $0x3FFFF800, s29  }
0x38: {  	[dreg:$0x13] =	wrdreg s21;
	s6 =	sor.u32 $0xF, s6;
	s21 =	simm.s32 $0x0  }
0x39: {  	[dreg:$0x10] =	wrdreg s26;
	s19 =	sshll.u32 s0, $0xB;
	s18 =	sor.u32 s16, s18  }
0x3a: {  	[smem:$0x7F0] =	sst s6;
	s22 =	sshll.u32 s6, $0xB;
	s19 =	sand.u32 $0x3FFFF800, s19  }
0x3b: {  	s25 =	sand.u32 $0x3FFFFF80, s21;
	s18 =	sadd.s32 $0x8100, s18;
	s19 =	sor.u32 s16, s19  }
0x3c: {  	[dreg:$0x11] =	wrdreg s18;
	s18 =	sand.u32 $0x3FFFF800, s22;
	s19 =	sadd.s32 $0x8100, s19  }
0x3d: {  	s18 =	sor.u32 s16, s18;
	s16 =	sand.u32 $0x60, s24;
	[dreg:$0x12] =	wrdreg s19  }
0x3e: {  	s22 =	sadd.s32 $0x8100, s18;
	s19 =	sadd.s32 s25, s23;
	s18 =	sor.u32 $0x10, s16  }
0x3f: {  	[sflag:s15] =	ssyncadd.s32 @!p0 $0xFFFFC380;
	[dreg:$0x14] =	wrdreg s22;
	s26 =	sadd.s32 s18, s19  }
0x40: {  	v7 =	vld [tilespmem:s26+$0x0];
	_ =	sdelay $0x2  }
0x41: {  	s29 =	sadd.s32 s16, s19  }
0x42: {  	v0 =	vld [tilespmem:s29+$0x0]  }
0x43: {  	s14 =	smul.u32 $0xF20, s14;
	_ =	sdelay $0x1  }
0x44: {  	s22 =	sshrl.u32 s14, $0x2  }
0x45: {  	v1 =	vld.idx.msk [tilespmem:v7+s22+$0x0], $0xffff;
	_ =	sdelay $0x1  }
0x46: {  	s31 =	rddreg [dreg:$0x5];
	s15 =	sand.u32 $0xFFFFFF80, s21  }
0x47: {  	s17 =	smul.u32 $0xF20, s17;
	s14 =	sadd.s32 s15, s31  }
0x48: {  	s6 =	sadd.s32 s18, s14;
	v2 =	vld.idx.msk [tilespmem:v0+s22+$0x0], $0xffff  }
0x49: {  	s28 =	sshrl.u32 s17, $0x2;
	[tilespmem:s6+$0x0] =	vst v1  }
0x4a: {  	v1 =	vld.idx.msk [tilespmem:v7+s28+$0x0], $0xffff;
	_ =	sdelay $0x1  }
0x4b: {  	s14 =	sadd.s32 s16, s14;
	s12 =	rddreg [dreg:$0x6]  }
0x4c: {  	s13 =	smul.u32 $0xF20, s13;
	[tilespmem:s14+$0x0] =	vst v2;
	s19 =	sadd.s32 s15, s12  }
0x4d: {  	v2 =	vld.idx.msk [tilespmem:v0+s28+$0x0], $0xffff;
	s17 =	sadd.s32 s18, s19  }
0x4e: {  	s29 =	sshrl.u32 s13, $0x2;
	[tilespmem:s17+$0x0] =	vst v1  }
0x4f: {  	v1 =	vld.idx.msk [tilespmem:v7+s29+$0x0], $0xffff;
	_ =	sdelay $0x1  }
0x50: {  	s14 =	sadd.s32 s16, s19;
	s20 =	rddreg [dreg:$0x7]  }
0x51: {  	s11 =	smul.u32 $0xF20, s11;
	[tilespmem:s14+$0x0] =	vst v2;
	s13 =	sadd.s32 s15, s20  }
0x52: {  	v2 =	vld.idx.msk [tilespmem:v0+s29+$0x0], $0xffff;
	s21 =	sadd.s32 s18, s13  }
0x53: {  	s24 =	simm.s32 $0x20;
	s12 =	sshrl.u32 s11, $0x2;
	s11 =	simm.s32 $0x20;
	[tilespmem:s21+$0x0] =	vst v1  }
0x54: {  	s23 =	rddreg [dreg:$0x4];
	s19 =	sand.u32 $0x60, s24;
	s26 =	sand.u32 $0x3FFFFF80, s11;
	v3 =	vld.idx.msk [tilespmem:v7+s12+$0x0], $0xffff  }
0x55: {  	s17 =	sadd.s32 s26, s23;
	s20 =	sor.u32 $0x10, s19  }
0x56: {  	s13 =	sadd.s32 s16, s13;
	s31 =	sadd.s32 s20, s17;
	s25 =	rddreg [dreg:$0x8]  }
0x57: {  	s10 =	smul.u32 $0xF20, s10;
	v1 =	vld [tilespmem:s31+$0x0];
	[tilespmem:s13+$0x0] =	vst v2;
	s6 =	sadd.s32 s15, s25  }
0x58: {  	v4 =	vld.idx.msk [tilespmem:v0+s12+$0x0], $0xffff;
	s14 =	sadd.s32 s18, s6  }
0x59: {  	s31 =	sshrl.u32 s10, $0x2;
	[tilespmem:s14+$0x0] =	vst v3  }
0x5a: {  	s21 =	sadd.s32 s19, s17;
	v3 =	vld.idx.msk [tilespmem:v7+s31+$0x0], $0xffff  }
0x5b: {  	v2 =	vld [tilespmem:s21+$0x0]  }
0x5c: {  	s23 =	sadd.s32 s16, s6;
	s14 =	rddreg [dreg:$0x9]  }
0x5d: {  	s9 =	smul.u32 $0xF20, s9;
	[tilespmem:s23+$0x0] =	vst v4;
	s24 =	sadd.s32 s15, s14  }
0x5e: {  	v4 =	vld.idx.msk [tilespmem:v0+s31+$0x0], $0xffff;
	s26 =	sadd.s32 s18, s24  }
0x5f: {  	s25 =	sshrl.u32 s9, $0x2;
	[tilespmem:s26+$0x0] =	vst v3;
	v3 =	vld.idx.msk [tilespmem:v1+s22+$0x0], $0xffff  }
0x60: {  	v5 =	vld.idx.msk [tilespmem:v7+s25+$0x0], $0xffff  }
0x61: {  	s17 =	rddreg [dreg:$0x5];
	s6 =	smov.u32 s22;
	s22 =	sand.u32 $0xFFFFFF80, s11  }
0x62: {  	s10 =	sadd.s32 s16, s24;
	s13 =	rddreg [dreg:$0xa];
	s11 =	sadd.s32 s22, s17  }
0x63: {  	s5 =	smul.u32 $0xF20, s5;
	[tilespmem:s10+$0x0] =	vst v4;
	v4 =	vld.idx.msk [tilespmem:v2+s6+$0x0], $0xffff;
	s21 =	sadd.s32 s15, s13;
	s9 =	sadd.s32 s20, s11  }
0x64: {  	s23 =	sadd.s32 s18, s21;
	[tilespmem:s9+$0x0] =	vst v3;
	v3 =	vld.idx.msk [tilespmem:v0+s25+$0x0], $0xffff  }
0x65: {  	s9 =	sshrl.u32 s5, $0x2;
	[tilespmem:s23+$0x0] =	vst v5;
	v5 =	vld.idx.msk [tilespmem:v1+s28+$0x0], $0xffff  }
0x66: {  	v6 =	vld.idx.msk [tilespmem:v7+s9+$0x0], $0xffff  }
0x67: {  	s26 =	smov.u32 s6;
	s11 =	sadd.s32 s19, s11;
	s24 =	rddreg [dreg:$0x6]  }
0x68: {  	s10 =	sadd.s32 s16, s21;
	[tilespmem:s11+$0x0] =	vst v4;
	s6 =	rddreg [dreg:$0xb];
	s5 =	sadd.s32 s22, s24  }
0x69: {  	s4 =	smul.u32 $0xF20, s4;
	s13 =	sadd.s32 s15, s6;
	s14 =	sadd.s32 s20, s5;
	[tilespmem:s10+$0x0] =	vst v3;
	v3 =	vld.idx.msk [tilespmem:v2+s28+$0x0], $0xffff  }
0x6a: {  	s17 =	sadd.s32 s18, s13;
	[tilespmem:s14+$0x0] =	vst v5;
	v4 =	vld.idx.msk [tilespmem:v0+s9+$0x0], $0xffff  }
0x6b: {  	s4 =	sshrl.u32 s4, $0x2;
	[tilespmem:s17+$0x0] =	vst v6;
	v5 =	vld.idx.msk [tilespmem:v1+s29+$0x0], $0xffff  }
0x6c: {  	v6 =	vld.idx.msk [tilespmem:v7+s4+$0x0], $0xffff  }
0x6d: {  	s1 =	smul.u32 $0xF20, s1;
	s5 =	sadd.s32 s19, s5;
	s21 =	rddreg [dreg:$0x7]  }
0x6e: {  	s24 =	sadd.s32 s16, s13;
	s23 =	rddreg [dreg:$0xc];
	s10 =	sadd.s32 s22, s21;
	[tilespmem:s5+$0x0] =	vst v3  }
0x6f: {  	s11 =	sadd.s32 s20, s10;
	s5 =	sadd.s32 s15, s23;
	[tilespmem:s24+$0x0] =	vst v4;
	v3 =	vld.idx.msk [tilespmem:v2+s29+$0x0], $0xffff  }
0x70: {  	s1 =	sshra.s32 s1, $0x2;
	s6 =	rddreg [dreg:$0x4];
	s21 =	sadd.s32 s18, s5;
	[tilespmem:s11+$0x0] =	vst v5;
	v4 =	vld.idx.msk [tilespmem:v0+s4+$0x0], $0xffff  }
0x71: {  	s14 =	simm.s32 $0x40;
	s10 =	sadd.s32 s19, s10;
	s23 =	simm.s32 $0x40;
	[tilespmem:s21+$0x0] =	vst v6;
	v5 =	vld.idx.msk [tilespmem:v1+s12+$0x0], $0xffff  }
0x72: {  	s24 =	sand.u32 $0x3FFFFF80, s14;
	s5 =	sadd.s32 s16, s5;
	s21 =	sand.u32 $0x60, s23;
	v6 =	vld.idx.msk [tilespmem:v7+s1+$0x0], $0xffff  }
0x73: {  	s13 =	sadd.s32 s24, s6;
	s11 =	rddreg [dreg:$0x8];
	s23 =	sor.u32 $0x10, s21  }
0x74: {  	s6 =	rddreg [dreg:$0xd];
	s24 =	sadd.s32 s23, s13;
	[tilespmem:s10+$0x0] =	vst v3;
	s10 =	sadd.s32 s22, s11  }
0x75: {  	s2 =	smul.u32 $0xF20, s2;
	v3 =	vld [tilespmem:s24+$0x0];
	s11 =	sadd.s32 s15, s6;
	[tilespmem:s5+$0x0] =	vst v4;
	s6 =	sadd.s32 s20, s10  }
0x76: {  	v8 =	vld.idx.msk [tilespmem:v2+s12+$0x0], $0xffff;
	s17 =	sadd.s32 s18, s11;
	[tilespmem:s6+$0x0] =	vst v5  }
0x77: {  	s5 =	sshra.s32 s2, $0x2;
	[tilespmem:s17+$0x0] =	vst v6;
	v5 =	vld.idx.msk [tilespmem:v1+s31+$0x0], $0xffff  }
0x78: {  	s24 =	sadd.s32 s21, s13;
	v6 =	vld.idx.msk [tilespmem:v7+s5+$0x0], $0xffff  }
0x79: {  	v4 =	vld [tilespmem:s24+$0x0];
	s24 =	rddreg [dreg:$0x9]  }
0x7a: {  	s10 =	sadd.s32 s19, s10;
	v9 =	vld.idx.msk [tilespmem:v0+s1+$0x0], $0xffff;
	s6 =	rddreg [dreg:$0xe];
	s2 =	sadd.s32 s22, s24  }
0x7b: {  	s17 =	sadd.s32 s20, s2;
	[tilespmem:s10+$0x0] =	vst v8;
	s10 =	sadd.s32 s15, s6  }
0x7c: {  	s24 =	sadd.s32 s18, s10;
	[tilespmem:s17+$0x0] =	vst v5  }
0x7d: {  	[tilespmem:s24+$0x0] =	vst v6  }
0x7e: {  	s11 =	sadd.s32 s16, s11;
	v8 =	vld.idx.msk [tilespmem:v2+s31+$0x0], $0xffff;
	[dreg:$0x15] =	wrdreg s26  }
0x7f: {  	[tilespmem:s11+$0x0] =	vst v9  }
0x80: {  	v5 =	vld.idx.msk [tilespmem:v3+s26+$0x0], $0xffff;
	[dreg:$0x18] =	wrdreg s25  }
0x81: {  	s7 =	smul.u32 $0xF20, s7;
	v6 =	vld.idx.msk [tilespmem:v1+s25+$0x0], $0xffff  }
0x82: {  	s13 =	rddreg [dreg:$0x5];
	s2 =	sadd.s32 s19, s2;
	s24 =	sand.u32 $0xFFFFFF80, s14  }
0x83: {  	s6 =	rddreg [dreg:$0xa];
	[tilespmem:s2+$0x0] =	vst v8;
	s2 =	sadd.s32 s24, s13  }
0x84: {  	s7 =	sshra.s32 s7, $0x2;
	v8 =	vld.idx.msk [tilespmem:v4+s26+$0x0], $0xffff;
	s13 =	sadd.s32 s22, s6;
	s26 =	sadd.s32 s23, s2  }
0x85: {  	v9 =	vld.idx.msk [tilespmem:v7+s7+$0x0], $0xffff;
	s6 =	sadd.s32 s20, s13;
	[tilespmem:s26+$0x0] =	vst v5  }
0x86: {  	s17 =	rddreg [dreg:$0xf];
	v10 =	vld.idx.msk [tilespmem:v2+s25+$0x0], $0xffff;
	[tilespmem:s6+$0x0] =	vst v6  }
0x87: {  	v5 =	vld.idx.msk [tilespmem:v0+s5+$0x0], $0xffff;
	[dreg:$0x1c] =	wrdreg s28  }
0x88: {  	s3 =	smul.u32 $0xF20, s3;
	s14 =	sadd.s32 s15, s17;
	s2 =	sadd.s32 s21, s2;
	v6 =	vld.idx.msk [tilespmem:v3+s28+$0x0], $0xffff  }
0x89: {  	s17 =	sadd.s32 s18, s14;
	s25 =	rddreg [dreg:$0x6];
	[tilespmem:s2+$0x0] =	vst v8;
	v8 =	vld.idx.msk [tilespmem:v1+s9+$0x0], $0xffff  }
0x8a: {  	s8 =	smul.u32 $0xF20, s8;
	s11 =	sshra.s32 s3, $0x2;
	s26 =	sadd.s32 s19, s13;
	[tilespmem:s17+$0x0] =	vst v9  }
0x8b: {  	s13 =	sadd.s32 s16, s10;
	s10 =	sadd.s32 s24, s25;
	s6 =	rddreg [dreg:$0xb];
	[tilespmem:s26+$0x0] =	vst v10  }
0x8c: {  	s26 =	sadd.s32 s23, s10;
	s2 =	sadd.s32 s22, s6;
	v9 =	vld.idx.msk [tilespmem:v7+s11+$0x0], $0xffff;
	s25 =	rddreg [dreg:$0x10];
	[tilespmem:s13+$0x0] =	vst v5  }
0x8d: {  	s3 =	sshra.s32 s8, $0x2;
	v5 =	vld.idx.msk [tilespmem:v4+s28+$0x0], $0xffff;
	s8 =	sadd.s32 s20, s2;
	[tilespmem:s26+$0x0] =	vst v6  }
0x8e: {  	v6 =	vld.idx.msk [tilespmem:v2+s9+$0x0], $0xffff;
	[tilespmem:s8+$0x0] =	vst v8  }
0x8f: {  	v10 =	vld.idx.msk [tilespmem:v0+s7+$0x0], $0xffff;
	s25 =	sadd.s32 s15, s25;
	[smem:$0x7F3] =	sst s29  }
0x90: {  	s14 =	sadd.s32 s16, s14;
	s6 =	sadd.s32 s18, s25;
	v8 =	vld.idx.msk [tilespmem:v3+s29+$0x0], $0xffff  }
0x91: {  	s10 =	sadd.s32 s21, s10;
	s13 =	simm.s32 $0x60;
	s26 =	rddreg [dreg:$0x4];
	[tilespmem:s6+$0x0] =	vst v9;
	v9 =	vld.idx.msk [tilespmem:v1+s4+$0x0], $0xffff  }
0x92: {  	s2 =	sadd.s32 s19, s2;
	s17 =	rddreg [dreg:$0x7];
	[tilespmem:s10+$0x0] =	vst v5;
	s6 =	sand.u32 $0x3FFFFF80, s13;
	v5 =	vld.idx.msk [tilespmem:v7+s3+$0x0], $0xffff  }
0x93: {  	s28 =	rddreg [dreg:$0xc];
	s6 =	sadd.s32 s6, s26;
	s26 =	sadd.s32 s24, s17;
	[tilespmem:s2+$0x0] =	vst v6;
	v6 =	vld.idx.msk [tilespmem:v4+s29+$0x0], $0xffff  }
0x94: {  	s28 =	sadd.s32 s22, s28;
	s8 =	rddreg [dreg:$0x11];
	[tilespmem:s14+$0x0] =	vst v10;
	s2 =	sadd.s32 s23, s26;
	v10 =	vld.idx.msk [tilespmem:v2+s4+$0x0], $0xffff  }
0x95: {  	s0 =	smul.u32 $0xF20, s0;
	s14 =	sadd.s32 s15, s8;
	s8 =	sadd.s32 s20, s28;
	[tilespmem:s2+$0x0] =	vst v8;
	v8 =	vld.idx.msk [tilespmem:v0+s11+$0x0], $0xffff  }
0x96: {  	[tilespmem:s8+$0x0] =	vst v9;
	s8 =	sadd.s32 s18, s14  }
0x97: {  	s10 =	sshra.s32 s0, $0x2;
	s17 =	simm.s32 $0x60;
	s26 =	sadd.s32 s21, s26;
	[tilespmem:s8+$0x0] =	vst v5  }
0x98: {  	s0 =	sand.u32 $0x60, s17;
	v9 =	vld.idx.msk [tilespmem:v3+s12+$0x0], $0xffff;
	s29 =	rddreg [dreg:$0x8];
	[tilespmem:s26+$0x0] =	vst v6;
	s26 =	sadd.s32 s19, s28  }
0x99: {  	v11 =	vld.idx.msk [tilespmem:v1+s1+$0x0], $0xffff;
	s30 =	rddreg [dreg:$0xd];
	s8 =	sor.u32 $0x10, s0;
	[tilespmem:s26+$0x0] =	vst v10;
	s26 =	sadd.s32 s16, s25  }
0x9a: {  	v12 =	vld.idx.msk [tilespmem:v7+s10+$0x0], $0xffff;
	s2 =	sadd.s32 s8, s6;
	s28 =	rddreg [dreg:$0x12];
	[tilespmem:s26+$0x0] =	vst v8  }
0x9b: {  	v5 =	vld [tilespmem:s2+$0x0];
	s25 =	sadd.s32 s24, s29;
	[dreg:$0x16] =	wrdreg s12  }
0x9c: {  	v8 =	vld.idx.msk [tilespmem:v4+s12+$0x0], $0xffff;
	s12 =	sadd.s32 s23, s25  }
0x9d: {  	[tilespmem:s12+$0x0] =	vst v9  }
0x9e: {  	s26 =	sld [smem:$0x7EF]  }
0x9f: {  	s29 =	sadd.s32 s0, s6;
	s6 =	sadd.s32 s22, s30;
	s2 =	sadd.s32 s15, s28  }
0xa0: {  	v6 =	vld [tilespmem:s29+$0x0];
	s29 =	sadd.s32 s20, s6;
	[smem:$0x7F4] =	sst s2  }
0xa1: {  	s28 =	rddreg [dreg:$0x9];
	[tilespmem:s29+$0x0] =	vst v11;
	v9 =	vld.idx.msk [tilespmem:v3+s31+$0x0], $0xffff;
	s29 =	sadd.s32 s18, s2;
	s12 =	smul.u32 $0xF20, s26  }
0xa2: {  	s25 =	sadd.s32 s21, s25;
	[tilespmem:s29+$0x0] =	vst v12;
	s2 =	rddreg [dreg:$0xe]  }
0xa3: {  	v10 =	vld.idx.msk [tilespmem:v1+s5+$0x0], $0xffff;
	s29 =	rddreg [dreg:$0x13];
	[tilespmem:s25+$0x0] =	vst v8;
	s12 =	sshra.s32 s12, $0x2  }
0xa4: {  	s28 =	sadd.s32 s24, s28;
	v11 =	vld.idx.msk [tilespmem:v7+s12+$0x0], $0xffff;
	[dreg:$0x19] =	wrdreg s1  }
0xa5: {  	s26 =	sadd.s32 s22, s2;
	s2 =	sadd.s32 s23, s28;
	v8 =	vld.idx.msk [tilespmem:v2+s1+$0x0], $0xffff;
	[dreg:$0x17] =	wrdreg s31  }
0xa6: {  	v12 =	vld.idx.msk [tilespmem:v4+s31+$0x0], $0xffff;
	[tilespmem:s2+$0x0] =	vst v9;
	s2 =	sadd.s32 s15, s29  }
0xa7: {  	s25 =	sadd.s32 s20, s26;
	v9 =	vld.idx.msk [tilespmem:v0+s3+$0x0], $0xffff;
	[smem:$0x7F5] =	sst s2  }
0xa8: {  	[tilespmem:s25+$0x0] =	vst v10  }
0xa9: {  	s31 =	sld [smem:$0x7F0];
	_ =	sdelay $0x2  }
0xaa: {  	s30 =	sadd.s32 s18, s2;
	s1 =	smul.u32 $0xF20, s31;
	s31 =	rddreg [dreg:$0x15]  }
0xab: {  	s6 =	sadd.s32 s19, s6;
	[tilespmem:s30+$0x0] =	vst v11;
	s30 =	rddreg [dreg:$0x5];
	v10 =	vld.idx.msk [tilespmem:v5+s31+$0x0], $0xffff  }
0xac: {  	s25 =	rddreg [dreg:$0x18];
	[tilespmem:s6+$0x0] =	vst v8;
	v8 =	vld.idx.msk [tilespmem:v1+s7+$0x0], $0xffff;
	s1 =	sshra.s32 s1, $0x2  }
0xad: {  	s13 =	sand.u32 $0xFFFFFF80, s13;
	s28 =	sadd.s32 s21, s28;
	v11 =	vld.idx.msk [tilespmem:v3+s25+$0x0], $0xffff;
	[smem:$0x7F1] =	sst s1  }
0xae: {  	s14 =	sadd.s32 s16, s14;
	s2 =	rddreg [dreg:$0xa];
	[tilespmem:s28+$0x0] =	vst v12;
	s28 =	sadd.s32 s13, s30  }
0xaf: {  	v7 =	vld.idx.msk [tilespmem:v7+s1+$0x0], $0xffff;
	s30 =	rddreg [dreg:$0x14];
	[tilespmem:s14+$0x0] =	vst v9;
	s1 =	sadd.s32 s8, s28  }
0xb0: {  	s6 =	rddreg [dreg:$0xf];
	v12 =	vld.idx.msk [tilespmem:v6+s31+$0x0], $0xffff;
	[tilespmem:s1+$0x0] =	vst v10  }
0xb1: {  	s14 =	sadd.s32 s24, s2;
	v9 =	vld.idx.msk [tilespmem:v4+s25+$0x0], $0xffff;
	[dreg:$0x1d] =	wrdreg s5  }
0xb2: {  	s25 =	sadd.s32 s22, s6;
	v10 =	vld.idx.msk [tilespmem:v2+s5+$0x0], $0xffff;
	s5 =	sadd.s32 s23, s14  }
0xb3: {  	s2 =	sadd.s32 s15, s30;
	s6 =	sadd.s32 s20, s25;
	[tilespmem:s5+$0x0] =	vst v11  }
0xb4: {  	s18 =	sadd.s32 s18, s2;
	s1 =	rddreg [dreg:$0x1c];
	[tilespmem:s6+$0x0] =	vst v8  }
0xb5: {  	s31 =	sadd.s32 s0, s28;
	v8 =	vld.idx.msk [tilespmem:v3+s9+$0x0], $0xffff;
	[tilespmem:s18+$0x0] =	vst v7  }
0xb6: {  	s15 =	rddreg [dreg:$0x6];
	[tilespmem:s31+$0x0] =	vst v12;
	v11 =	vld.idx.msk [tilespmem:v5+s1+$0x0], $0xffff  }
0xb7: {  	s14 =	sadd.s32 s21, s14;
	v7 =	vld.idx.msk [tilespmem:v1+s11+$0x0], $0xffff;
	[smem:$0x7F2] =	sst s10  }
0xb8: {  	s28 =	rddreg [dreg:$0xb];
	s6 =	sadd.s32 s19, s26;
	[tilespmem:s14+$0x0] =	vst v9  }
0xb9: {  	s26 =	sadd.s32 s13, s15;
	s5 =	rddreg [dreg:$0x10];
	v12 =	vld.idx.msk [tilespmem:v0+s10+$0x0], $0xffff;
	[tilespmem:s6+$0x0] =	vst v10  }
0xba: {  	v9 =	vld.idx.msk [tilespmem:v6+s1+$0x0], $0xffff;
	s14 =	sadd.s32 s24, s28;
	s28 =	sadd.s32 s8, s26;
	[dreg:$0x1a] =	wrdreg s9  }
0xbb: {  	[tilespmem:s28+$0x0] =	vst v11  }
0xbc: {  	v10 =	vld.idx.msk [tilespmem:v4+s9+$0x0], $0xffff;
	s9 =	sadd.s32 s23, s14;
	s28 =	sadd.s32 s22, s5;
	[dreg:$0x1f] =	wrdreg s7  }
0xbd: {  	s10 =	sadd.s32 s20, s28;
	[tilespmem:s9+$0x0] =	vst v8  }
0xbe: {  	s1 =	sld [smem:$0x7F3];
	[tilespmem:s10+$0x0] =	vst v7  }
0xbf: {  	s18 =	sld [smem:$0x7F4];
	_ =	sdelay $0x2  }
0xc0: {  	v13 =	vld.idx.msk [tilespmem:v2+s7+$0x0], $0xffff;
	s30 =	sadd.s32 s16, s18  }
0xc1: {  	v11 =	vld.idx.msk [tilespmem:v3+s4+$0x0], $0xffff;
	s6 =	sld [smem:$0x7F5];
	[tilespmem:s30+$0x0] =	vst v12  }
0xc2: {  	s7 =	sadd.s32 s0, s26;
	v14 =	vld.idx.msk [tilespmem:v5+s1+$0x0], $0xffff;
	[dreg:$0x1b] =	wrdreg s3  }
0xc3: {  	s15 =	rddreg [dreg:$0x7];
	[tilespmem:s7+$0x0] =	vst v9  }
0xc4: {  	s9 =	sadd.s32 s21, s14;
	v8 =	vld.idx.msk [tilespmem:v1+s3+$0x0], $0xffff;
	[smem:$0x7F6] =	sst s12  }
0xc5: {  	s25 =	sadd.s32 s19, s25;
	s31 =	rddreg [dreg:$0xc];
	[tilespmem:s9+$0x0] =	vst v10  }
0xc6: {  	s29 =	sadd.s32 s13, s15;
	s14 =	simm.s32 $0x6;
	s10 =	rddreg [dreg:$0x11];
	v7 =	vld.idx.msk [tilespmem:v0+s12+$0x0], $0xffff;
	[tilespmem:s25+$0x0] =	vst v13  }
0xc7: {  	s15 =	sadd.s32 s24, s31;
	s31 =	sadd.s32 s8, s29;
	v12 =	vld.idx.msk [tilespmem:v6+s1+$0x0], $0xffff;
	[dreg:$0x1e] =	wrdreg s4  }
0xc8: {  	s18 =	sadd.s32 s16, s6;
	s16 =	sadd.s32 s16, s2;
	s2 =	sadd.s32 s19, s28;
	[tilespmem:s31+$0x0] =	vst v14  }
0xc9: {  	s28 =	sadd.s32 s21, s15;
	s30 =	sadd.s32 s0, s29;
	v10 =	vld.idx.msk [tilespmem:v4+s4+$0x0], $0xffff;
	[smem:$0x7F7] =	sst s11  }
0xca: {  	s12 =	smov.u32 s22;
	s25 =	sadd.s32 s23, s15;
	s15 =	sadd.s32 s22, s10;
	v9 =	vld.idx.msk [tilespmem:v2+s11+$0x0], $0xffff  }
.LBB2_3:
0xcb: {  	s26 =	rddreg [dreg:$0x4]  }
0xcc: {  	s3 =	rddreg [dreg:$0x16]  }
0xcd: {  	s31 =	rddreg [dreg:$0x8]  }
0xce: {  	s4 =	rddreg [dreg:$0x19]  }
0xcf: {  	s9 =	rddreg [dreg:$0xd]  }
0xd0: {  	s6 =	sld [smem:$0x7F2]  }
0xd1: {  	s14 =	sadd.s32 $0x2, s14;
	s10 =	sadd.s32 s20, s15;
	s22 =	sld [smem:$0x7F1];
	[tilespmem:s18+$0x0] =	vst v7  }
0xd2: {  	s17 =	sadd.s32 $0x20, s17;
	s11 =	rddreg [dreg:$0x12];
	v13 =	vld.idx.msk [tilespmem:v5+s3+$0x0], $0xffff;
	s29 =	sshll.u32 s14, $0x4;
	[tilespmem:s25+$0x0] =	vst v11  }
0xd3: {  	s31 =	sadd.s32 s13, s31;
	s9 =	sadd.s32 s24, s9;
	s7 =	sadd.s32 s12, s11;
	[tilespmem:s30+$0x0] =	vst v12;
	v11 =	vld.idx.msk [tilespmem:v3+s4+$0x0], $0xffff  }
0xd4: {  	s1 =	sand.u32 $0x3FFFFF80, s29;
	s11 =	sadd.s32 s20, s7;
	s25 =	sand.u32 $0x60, s17;
	v7 =	vld.idx.msk [tilespmem:v0+s22+$0x0], $0xffff  }
0xd5: {  	s18 =	rddreg [dreg:$0xe];
	s1 =	sadd.s32 s1, s26;
	[tilespmem:s10+$0x0] =	vst v8;
	s26 =	sor.u32 $0x10, s25;
	v12 =	vld.idx.msk [tilespmem:v6+s3+$0x0], $0xffff  }
0xd6: {  	s30 =	sadd.s32 s25, s1;
	[tilespmem:s28+$0x0] =	vst v10;
	s28 =	sadd.s32 s8, s31;
	s3 =	rddreg [dreg:$0x17];
	v8 =	vld.idx.msk [tilespmem:v1+s6+$0x0], $0xffff  }
0xd7: {  	s10 =	sadd.s32 s19, s7;
	s7 =	sld [smem:$0x7F6];
	s1 =	sadd.s32 s26, s1;
	[tilespmem:s2+$0x0] =	vst v9  }
0xd8: {  	s5 =	sadd.s32 s23, s9;
	v0 =	vmov v2;
	v2 =	vmov v4;
	[smem:$0x7E9] =	sst s10;
	v10 =	vld [tilespmem:s1+$0x0];
	[tilespmem:s28+$0x0] =	vst v13  }
0xd9: {  	v4 =	vmov v6;
	s1 =	sadd.s32 s0, s31;
	s31 =	sadd.s32 s19, s15;
	s15 =	rddreg [dreg:$0x9];
	v9 =	vld.idx.msk [tilespmem:v5+s3+$0x0], $0xffff;
	[tilespmem:s5+$0x0] =	vst v11  }
0xda: {  	s10 =	sadd.s32 s24, s18;
	v6 =	vld [tilespmem:s30+$0x0];
	s30 =	sadd.s32 s21, s9;
	s5 =	rddreg [dreg:$0x1d];
	[tilespmem:s16+$0x0] =	vst v7  }
0xdb: {  	s18 =	sadd.s32 s23, s10;
	s28 =	sand.u32 $0xFFFFFF80, s29;
	s29 =	rddreg [dreg:$0xf];
	v11 =	vld.idx.msk [tilespmem:v3+s5+$0x0], $0xffff;
	[tilespmem:s11+$0x0] =	vst v8  }
0xdc: {  	s9 =	sadd.s32 s13, s15;
	s15 =	sadd.s32 s21, s10;
	s10 =	rddreg [dreg:$0x18];
	[tilespmem:s1+$0x0] =	vst v12;
	v8 =	vld.idx.msk [tilespmem:v1+s7+$0x0], $0xffff  }
0xdd: {  	s1 =	rddreg [dreg:$0x13];
	v7 =	vld.idx.msk [tilespmem:v2+s4+$0x0], $0xffff  }
0xde: {  	s16 =	sadd.s32 s0, s9;
	s11 =	rddreg [dreg:$0x1b];
	v12 =	vld.idx.msk [tilespmem:v4+s3+$0x0], $0xffff  }
0xdf: {  	s9 =	sadd.s32 s8, s9;
	v13 =	vld.idx.msk [tilespmem:v0+s11+$0x0], $0xffff;
	s4 =	rddreg [dreg:$0x15];
	s1 =	sadd.s32 s12, s1  }
0xe0: {  	s3 =	rddreg [dreg:$0x5];
	s2 =	sadd.s32 s19, s1;
	s1 =	sadd.s32 s20, s1;
	v14 =	vld.idx.msk [tilespmem:v10+s4+$0x0], $0xffff;
	[tilespmem:s9+$0x0] =	vst v9  }
0xe1: {  	v9 =	vld.idx.msk [tilespmem:v5+s10+$0x0], $0xffff;
	[tilespmem:s18+$0x0] =	vst v11;
	s18 =	smov.u32 s20;
	s20 =	smov.u32 s19;
	s19 =	rddreg [dreg:$0x1f]  }
0xe2: {  	s9 =	rddreg [dreg:$0xa];
	v11 =	vld.idx.msk [tilespmem:v3+s19+$0x0], $0xffff;
	[tilespmem:s1+$0x0] =	vst v8  }
0xe3: {  	s3 =	sadd.s32 s28, s3;
	s9 =	sadd.s32 s13, s9;
	[tilespmem:s30+$0x0] =	vst v7;
	v7 =	vld.idx.msk [tilespmem:v1+s22+$0x0], $0xffff;
	s22 =	rddreg [dreg:$0x14]  }
0xe4: {  	s30 =	sadd.s32 s25, s3;
	s1 =	sadd.s32 s24, s29;
	v1 =	vmov v3;
	v3 =	vmov v5;
	v8 =	vld.idx.msk [tilespmem:v6+s4+$0x0], $0xffff;
	[tilespmem:s16+$0x0] =	vst v12;
	s4 =	rddreg [dreg:$0x1c]  }
0xe5: {  	s3 =	sadd.s32 s26, s3;
	s29 =	sadd.s32 s21, s1;
	v12 =	vld.idx.msk [tilespmem:v4+s10+$0x0], $0xffff;
	[tilespmem:s31+$0x0] =	vst v13;
	s10 =	rddreg [dreg:$0x1a]  }
0xe6: {  	[tilespmem:s3+$0x0] =	vst v14;
	s3 =	sadd.s32 s0, s9;
	s9 =	sadd.s32 s8, s9;
	v13 =	vld.idx.msk [tilespmem:v2+s5+$0x0], $0xffff;
	s5 =	sadd.s32 s12, s22  }
0xe7: {  	v5 =	vmov v10;
	v10 =	vld.idx.msk [tilespmem:v10+s4+$0x0], $0xffff;
	[tilespmem:s9+$0x0] =	vst v9;
	s16 =	sadd.s32 s20, s5;
	s9 =	sadd.s32 s18, s5;
	s5 =	sld [smem:$0x7F7]  }
0xe8: {  	s1 =	sadd.s32 s23, s1;
	s31 =	smov.u32 s21;
	s22 =	rddreg [dreg:$0x6]  }
0xe9: {  	s21 =	smov.u32 s0;
	s12 =	rddreg [dreg:$0xb];
	s0 =	smov.u32 s25;
	v9 =	vld.idx.msk [tilespmem:v3+s10+$0x0], $0xffff;
	[tilespmem:s1+$0x0] =	vst v11  }
0xea: {  	s18 =	smov.u32 s2;
	s20 =	smov.u32 s23;
	s22 =	sadd.s32 s28, s22;
	[tilespmem:s30+$0x0] =	vst v8;
	v14 =	vld.idx.msk [tilespmem:v1+s5+$0x0], $0xffff  }
0xeb: {  	s23 =	smov.u32 s8;
	s8 =	smov.u32 s26;
	[tilespmem:s9+$0x0] =	vst v7;
	v7 =	vld.idx.msk [tilespmem:v0+s6+$0x0], $0xffff;
	s9 =	sadd.s32 s13, s12  }
0xec: {  	v15 =	vld.idx.msk [tilespmem:v6+s4+$0x0], $0xffff;
	[tilespmem:s3+$0x0] =	vst v12;
	s25 =	sadd.s32 s21, s9;
	s6 =	sadd.s32 s23, s9;
	s9 =	sld [smem:$0x7F3]  }
0xed: {  	s2 =	rddreg [dreg:$0x10];
	s4 =	sadd.s32 s0, s22;
	s22 =	sadd.s32 s8, s22;
	v16 =	vld.idx.msk [tilespmem:v4+s10+$0x0], $0xffff;
	[tilespmem:s15+$0x0] =	vst v13  }
0xee: {  	s26 =	sld [smem:$0x7E9];
	s1 =	sadd.s32 s24, s2;
	[tilespmem:s22+$0x0] =	vst v10;
	v13 =	vld.idx.msk [tilespmem:v2+s19+$0x0], $0xffff  }
0xef: {  	s2 =	sadd.s32 s31, s1;
	s1 =	sadd.s32 s20, s1;
	s15 =	rddreg [dreg:$0x1e];
	v17 =	vld.idx.msk [tilespmem:v5+s9+$0x0], $0xffff;
	[tilespmem:s6+$0x0] =	vst v9  }
0xf0: {  	v11 =	vld.idx.msk [tilespmem:v3+s15+$0x0], $0xffff;
	[tilespmem:s1+$0x0] =	vst v14  }
0xf1: {  	p0 =	slt.u32 s14, $0x3E;
	[tilespmem:s26+$0x0] =	vst v7  }
.Ltmp0:
0xf2: {  	s12 =	smov.u32 s24;
	s10 =	rddreg [dreg:$0x7];
	v8 =	vld.idx.msk [tilespmem:v1+s11+$0x0], $0xffff;
	[tilespmem:s4+$0x0] =	vst v15;
	(pc) =	sbr.rel @p0 .LBB2_3-.Ltmp0, $4  }
0xf3: {  	s24 =	smov.u32 s13;
	s13 =	smov.u32 s28;
	s22 =	rddreg [dreg:$0xc];
	v7 =	vld.idx.msk [tilespmem:v0+s7+$0x0], $0xffff  }
0xf4: {  	s19 =	smov.u32 s31;
	s31 =	rddreg [dreg:$0x11];
	v12 =	vld.idx.msk [tilespmem:v6+s9+$0x0], $0xffff;
	s9 =	sadd.s32 s13, s10;
	[tilespmem:s25+$0x0] =	vst v16  }
0xf5: {  	s1 =	sadd.s32 s24, s22;
	s30 =	sadd.s32 s0, s9;
	s9 =	sadd.s32 s8, s9;
	v10 =	vld.idx.msk [tilespmem:v4+s15+$0x0], $0xffff;
	[tilespmem:s29+$0x0] =	vst v13  }
0xf6: {  	s28 =	sadd.s32 s21, s1;
	s25 =	sadd.s32 s23, s1;
	s15 =	sadd.s32 s12, s31;
	[tilespmem:s9+$0x0] =	vst v17;
	v9 =	vld.idx.msk [tilespmem:v2+s5+$0x0], $0xffff  }
0xf7: {  	_ =	sdelay $0x2  }
0xf8: {  	s4 =	rddreg [dreg:$0x16]  }
0xf9: {  	v13 =	vld.idx.msk [tilespmem:v5+s4+$0x0], $0xffff;
	_ =	sdelay $0x1  }
0xfa: {  	s1 =	rddreg [dreg:$0x8]  }
0xfb: {  	s1 =	sadd.s32 s13, s1  }
0xfc: {  	[tilespmem:s30+$0x0] =	vst v12;
	s3 =	sadd.s32 s8, s1  }
0xfd: {  	[tilespmem:s3+$0x0] =	vst v13  }
0xfe: {  	v12 =	vld.idx.msk [tilespmem:v6+s4+$0x0], $0xffff;
	s6 =	rddreg [dreg:$0x17]  }
0xff: {  	v13 =	vld.idx.msk [tilespmem:v5+s6+$0x0], $0xffff;
	_ =	sdelay $0x1  }
0x100: {  	s3 =	rddreg [dreg:$0x9]  }
0x101: {  	s1 =	sadd.s32 s0, s1;
	s3 =	sadd.s32 s13, s3  }
0x102: {  	[tilespmem:s1+$0x0] =	vst v12;
	s7 =	sadd.s32 s8, s3  }
0x103: {  	[tilespmem:s7+$0x0] =	vst v13  }
0x104: {  	v12 =	vld.idx.msk [tilespmem:v6+s6+$0x0], $0xffff;
	s9 =	rddreg [dreg:$0x18]  }
0x105: {  	v13 =	vld.idx.msk [tilespmem:v5+s9+$0x0], $0xffff;
	_ =	sdelay $0x1  }
0x106: {  	s1 =	rddreg [dreg:$0xa]  }
0x107: {  	s3 =	sadd.s32 s0, s3;
	s1 =	sadd.s32 s13, s1  }
0x108: {  	[tilespmem:s3+$0x0] =	vst v12;
	s10 =	sadd.s32 s8, s1  }
0x109: {  	[tilespmem:s10+$0x0] =	vst v13  }
0x10a: {  	v12 =	vld.idx.msk [tilespmem:v6+s9+$0x0], $0xffff;
	s11 =	rddreg [dreg:$0x1a]  }
0x10b: {  	v13 =	vld.idx.msk [tilespmem:v5+s11+$0x0], $0xffff;
	_ =	sdelay $0x1  }
0x10c: {  	s3 =	rddreg [dreg:$0xb]  }
0x10d: {  	s1 =	sadd.s32 s0, s1;
	s3 =	sadd.s32 s13, s3  }
0x10e: {  	[tilespmem:s1+$0x0] =	vst v12;
	s14 =	sadd.s32 s8, s3  }
0x10f: {  	v12 =	vld.idx.msk [tilespmem:v6+s11+$0x0], $0xffff;
	[tilespmem:s14+$0x0] =	vst v13  }
0x110: {  	s17 =	rddreg [dreg:$0x1e];
	[tilespmem:s25+$0x0] =	vst v11  }
0x111: {  	v13 =	vld.idx.msk [tilespmem:v5+s17+$0x0], $0xffff;
	s5 =	rddreg [dreg:$0x19]  }
0x112: {  	v11 =	vld.idx.msk [tilespmem:v3+s5+$0x0], $0xffff  }
0x113: {  	s3 =	sadd.s32 s0, s3;
	s1 =	rddreg [dreg:$0xc]  }
0x114: {  	s1 =	sadd.s32 s13, s1;
	s9 =	rddreg [dreg:$0xd];
	[tilespmem:s3+$0x0] =	vst v12  }
0x115: {  	[tilespmem:s28+$0x0] =	vst v10;
	s22 =	sadd.s32 s8, s1;
	s25 =	sadd.s32 s24, s9  }
0x116: {  	v12 =	vld.idx.msk [tilespmem:v6+s17+$0x0], $0xffff;
	s9 =	sadd.s32 s23, s25;
	[tilespmem:s22+$0x0] =	vst v13  }
0x117: {  	v38 =	vld.idx.msk [tilespmem:v4+s5+$0x0], $0xffff;
	[tilespmem:s9+$0x0] =	vst v11  }
0x118: {  	v13 =	vld.idx.msk [tilespmem:v5+s5+$0x0], $0xffff;
	s7 =	rddreg [dreg:$0x1d]  }
0x119: {  	v37 =	vld.idx.msk [tilespmem:v3+s7+$0x0], $0xffff  }
0x11a: {  	s1 =	sadd.s32 s0, s1;
	s26 =	rddreg [dreg:$0xd]  }
0x11b: {  	s3 =	sadd.s32 s21, s25;
	s4 =	sadd.s32 s13, s26;
	s9 =	rddreg [dreg:$0xe];
	[tilespmem:s1+$0x0] =	vst v12  }
0x11c: {  	[tilespmem:s3+$0x0] =	vst v38;
	s29 =	sadd.s32 s8, s4;
	s30 =	sadd.s32 s24, s9  }
0x11d: {  	s14 =	sadd.s32 s23, s30;
	[tilespmem:s29+$0x0] =	vst v13  }
0x11e: {  	v40 =	vld.idx.msk [tilespmem:v6+s5+$0x0], $0xffff;
	[tilespmem:s14+$0x0] =	vst v37  }
0x11f: {  	v39 =	vld.idx.msk [tilespmem:v5+s7+$0x0], $0xffff;
	s11 =	rddreg [dreg:$0x1f]  }
0x120: {  	v10 =	vld.idx.msk [tilespmem:v3+s11+$0x0], $0xffff  }
0x121: {  	s31 =	rddreg [dreg:$0xe]  }
0x122: {  	s4 =	sadd.s32 s0, s4;
	s6 =	sadd.s32 s13, s31;
	s17 =	rddreg [dreg:$0xf]  }
0x123: {  	s22 =	sadd.s32 s8, s6;
	[tilespmem:s4+$0x0] =	vst v40;
	s25 =	sadd.s32 s24, s17  }
0x124: {  	s28 =	sadd.s32 s23, s25;
	[tilespmem:s22+$0x0] =	vst v39  }
0x125: {  	v41 =	vld.idx.msk [tilespmem:v5+s11+$0x0], $0xffff;
	[tilespmem:s28+$0x0] =	vst v10  }
0x126: {  	s22 =	smov.u32 s12;
	s12 =	sld [smem:$0x7F7]  }
0x127: {  	v42 =	vld.idx.msk [tilespmem:v4+s7+$0x0], $0xffff;
	s26 =	rddreg [dreg:$0xf]  }
0x128: {  	s9 =	sadd.s32 s13, s26  }
0x129: {  	s17 =	sadd.s32 s8, s9;
	v43 =	vld.idx.msk [tilespmem:v3+s12+$0x0], $0xffff  }
0x12a: {  	v13 =	vld.idx.msk [tilespmem:v6+s7+$0x0], $0xffff;
	[tilespmem:s17+$0x0] =	vst v41  }
0x12b: {  	s1 =	sadd.s32 s21, s30;
	s14 =	rddreg [dreg:$0x10];
	v11 =	vld.idx.msk [tilespmem:v5+s12+$0x0], $0xffff  }
0x12c: {  	[tilespmem:s1+$0x0] =	vst v42;
	s5 =	sadd.s32 s24, s14  }
0x12d: {  	v10 =	vld.idx.msk [tilespmem:v4+s11+$0x0], $0xffff;
	s30 =	sadd.s32 s23, s5;
	s29 =	rddreg [dreg:$0x10]  }
0x12e: {  	s31 =	sadd.s32 s0, s6;
	s3 =	sadd.s32 s13, s29;
	[tilespmem:s30+$0x0] =	vst v43  }
0x12f: {  	s7 =	sadd.s32 s8, s3;
	s10 =	rddreg [dreg:$0x1b];
	[tilespmem:s31+$0x0] =	vst v13  }
0x130: {  	s17 =	sadd.s32 s20, s15;
	[tilespmem:s7+$0x0] =	vst v11  }
0x131: {  	s25 =	sadd.s32 s21, s25;
	[tilespmem:s17+$0x0] =	vst v8;
	v12 =	vld.idx.msk [tilespmem:v3+s10+$0x0], $0xffff  }
0x132: {  	s6 =	rddreg [dreg:$0x11];
	[tilespmem:s25+$0x0] =	vst v10  }
0x133: {  	v13 =	vld.idx.msk [tilespmem:v6+s11+$0x0], $0xffff;
	s4 =	sadd.s32 s24, s6;
	s6 =	sld [smem:$0x7F2]  }
0x134: {  	v44 =	vld.idx.msk [tilespmem:v5+s10+$0x0], $0xffff  }
0x135: {  	v46 =	vld.idx.msk [tilespmem:v4+s12+$0x0], $0xffff;
	s14 =	sadd.s32 s23, s4  }
0x136: {  	s26 =	rddreg [dreg:$0x11];
	v45 =	vld.idx.msk [tilespmem:v1+s6+$0x0], $0xffff;
	[tilespmem:s14+$0x0] =	vst v12  }
0x137: {  	s29 =	sadd.s32 s0, s9;
	s28 =	rddreg [dreg:$0x12];
	[tilespmem:s2+$0x0] =	vst v9;
	s7 =	sadd.s32 s13, s26;
	v47 =	vld.idx.msk [tilespmem:v3+s6+$0x0], $0xffff  }
0x138: {  	s31 =	sadd.s32 s8, s7;
	[tilespmem:s29+$0x0] =	vst v13  }
0x139: {  	s1 =	sadd.s32 s22, s28;
	[tilespmem:s31+$0x0] =	vst v44;
	s30 =	rddreg [dreg:$0x12];
	v48 =	vld.idx.msk [tilespmem:v6+s12+$0x0], $0xffff;
	s12 =	sadd.s32 s21, s5  }
0x13a: {  	s11 =	sadd.s32 s20, s1;
	s5 =	sadd.s32 s24, s30;
	[tilespmem:s12+$0x0] =	vst v46  }
0x13b: {  	[tilespmem:s11+$0x0] =	vst v45;
	s17 =	sadd.s32 s23, s5  }
0x13c: {  	[tilespmem:s17+$0x0] =	vst v47  }
0x13d: {  	s12 =	sld [smem:$0x7F6]  }
0x13e: {  	v8 =	vld.idx.msk [tilespmem:v5+s6+$0x0], $0xffff;
	_ =	sdelay $0x1  }
0x13f: {  	s14 =	rddreg [dreg:$0x12];
	v49 =	vld.idx.msk [tilespmem:v1+s12+$0x0], $0xffff  }
0x140: {  	s9 =	sadd.s32 s13, s14;
	v50 =	vld.idx.msk [tilespmem:v3+s12+$0x0], $0xffff  }
0x141: {  	v51 =	vld.idx.msk [tilespmem:v2+s10+$0x0], $0xffff;
	s28 =	sadd.s32 s8, s9;
	s25 =	rddreg [dreg:$0x13]  }
0x142: {  	s3 =	sadd.s32 s0, s3;
	v52 =	vld.idx.msk [tilespmem:v4+s10+$0x0], $0xffff;
	s2 =	sadd.s32 s22, s25;
	s26 =	rddreg [dreg:$0x13];
	[tilespmem:s28+$0x0] =	vst v8  }
0x143: {  	s29 =	sadd.s32 s20, s2;
	[tilespmem:s3+$0x0] =	vst v48;
	s3 =	sadd.s32 s24, s26;
	v53 =	vld.idx.msk [tilespmem:v5+s12+$0x0], $0xffff  }
0x144: {  	v54 =	vld.idx.msk [tilespmem:v6+s10+$0x0], $0xffff;
	s31 =	sadd.s32 s23, s3;
	[tilespmem:s29+$0x0] =	vst v49  }
0x145: {  	s17 =	sadd.s32 s19, s15;
	s30 =	rddreg [dreg:$0x13];
	[tilespmem:s31+$0x0] =	vst v50  }
0x146: {  	s4 =	sadd.s32 s21, s4;
	s26 =	sadd.s32 s13, s30;
	s25 =	rddreg [dreg:$0x14];
	[tilespmem:s17+$0x0] =	vst v51  }
0x147: {  	s29 =	sadd.s32 s8, s26;
	s28 =	rddreg [dreg:$0x14];
	[tilespmem:s4+$0x0] =	vst v52  }
0x148: {  	s30 =	sadd.s32 s0, s7;
	[tilespmem:s29+$0x0] =	vst v53;
	v55 =	vld.idx.msk [tilespmem:v2+s6+$0x0], $0xffff  }
0x149: {  	v56 =	vld.idx.msk [tilespmem:v4+s6+$0x0], $0xffff;
	s31 =	rddreg [dreg:$0x14];
	[tilespmem:s30+$0x0] =	vst v54  }
0x14a: {  	v9 =	vld.idx.msk [tilespmem:v6+s6+$0x0], $0xffff;
	_ =	sdelay $0x1  }
0x14b: {  	s1 =	sadd.s32 s19, s1;
	[tilespmem:s18+$0x0] =	vst v7  }
0x14c: {  	s6 =	sadd.s32 s21, s5;
	[tilespmem:s1+$0x0] =	vst v55  }
0x14d: {  	s9 =	sadd.s32 s0, s9;
	[tilespmem:s6+$0x0] =	vst v56  }
0x14e: {  	[tilespmem:s9+$0x0] =	vst v9  }
0x14f: {  	v8 =	vld.idx.msk [tilespmem:v2+s12+$0x0], $0xffff;
	s4 =	sld [smem:$0x7F1];
	_ =	sdelay $0x1  }
0x150: {  	v57 =	vld.idx.msk [tilespmem:v4+s12+$0x0], $0xffff  }
0x151: {  	v0 =	vld.idx.msk [tilespmem:v0+s4+$0x0], $0xffff  }
0x152: {  	s10 =	sadd.s32 s19, s2;
	v9 =	vld.idx.msk [tilespmem:v6+s12+$0x0], $0xffff  }
0x153: {  	v58 =	vld.idx.msk [tilespmem:v1+s4+$0x0], $0xffff;
	[tilespmem:s10+$0x0] =	vst v8  }
0x154: {  	s12 =	sadd.s32 s21, s3;
	v59 =	vld.idx.msk [tilespmem:v2+s4+$0x0], $0xffff  }
0x155: {  	v60 =	vld.idx.msk [tilespmem:v3+s4+$0x0], $0xffff;
	[tilespmem:s12+$0x0] =	vst v57  }
0x156: {  	s17 =	sadd.s32 s0, s26;
	v61 =	vld.idx.msk [tilespmem:v4+s4+$0x0], $0xffff;
	[tilespmem:s16+$0x0] =	vst v0;
	s16 =	sadd.s32 s22, s25  }
0x157: {  	v62 =	vld.idx.msk [tilespmem:v5+s4+$0x0], $0xffff;
	[tilespmem:s17+$0x0] =	vst v9;
	s18 =	sadd.s32 s20, s16  }
0x158: {  	v63 =	vld.idx.msk [tilespmem:v6+s4+$0x0], $0xffff;
	s1 =	sadd.s32 s19, s16;
	s20 =	sadd.s32 s24, s28;
	[tilespmem:s18+$0x0] =	vst v58  }
0x159: {  	[tilespmem:s1+$0x0] =	vst v59;
	s22 =	sadd.s32 s23, s20  }
0x15a: {  	s2 =	sadd.s32 s21, s20;
	s23 =	sadd.s32 s13, s31;
	[tilespmem:s22+$0x0] =	vst v60  }
0x15b: {  	[tilespmem:s2+$0x0] =	vst v61;
	s24 =	sadd.s32 s8, s23  }
0x15c: {  	s26 =	sadd.s32 s0, s23;
	s25 =	sld [smem:$0x7EC];
	[tilespmem:s24+$0x0] =	vst v62  }
0x15d: {  	s28 =	sld [smem:$0x7FC];
	[tilespmem:s26+$0x0] =	vst v63  }
0x15e: {  	s0 =	sld [smem:$0x7EB]  }
0x15f: {  	s2 =	sld [smem:$0x7EE]  }
0x160: {  	s29 =	sld [smem:$0x7ED]  }
0x161: {  	s3 =	sshll.u32 s25, $0x7  }
0x162: {  	s1 =	sadd.s32 s3, s28  }
0x163: {  	s4 =	simm.s32 $0x0;
	s0 =	sadd.s32 s0, s2;
	s1 =	sadd.s32 s29, s1  }
0x164: {  	[hbm4b:s1+s4] =	stream.linear.scatter [tilespmem:s0], [sflag:$0x4], $0x400, $0x38;
	[tilespmem:$0x18100] =	vst v63  }
0x165: {  	s30 =	sadd.s32 $0x800, s0;
	s31 =	sadd.s32 $0x2000, s1  }
0x166: {  	[hbm4b:s31+s4] =	stream.linear.scatter [tilespmem:s30], [sflag:$0x4], $0x400, $0x38;
	[tilespmem:$0x18100] =	vst v63  }
0x167: {  	s3 =	sadd.s32 $0x1000, s0;
	s5 =	sadd.s32 $0x4000, s1  }
0x168: {  	[hbm4b:s5+s4] =	stream.linear.scatter [tilespmem:s3], [sflag:$0x4], $0x400, $0x38;
	[tilespmem:$0x18100] =	vst v63  }
0x169: {  	s6 =	sadd.s32 $0x1800, s0;
	s7 =	sadd.s32 $0x6000, s1  }
0x16a: {  	[hbm4b:s7+s4] =	stream.linear.scatter [tilespmem:s6], [sflag:$0x4], $0x400, $0x38;
	[tilespmem:$0x18100] =	vst v63  }
0x16b: {  	s8 =	sadd.s32 $0x2000, s0;
	s9 =	sadd.s32 $0x8000, s1  }
0x16c: {  	[hbm4b:s9+s4] =	stream.linear.scatter [tilespmem:s8], [sflag:$0x4], $0x400, $0x38;
	[tilespmem:$0x18100] =	vst v63  }
0x16d: {  	s10 =	sadd.s32 $0x2800, s0;
	s11 =	sadd.s32 $0xA000, s1  }
0x16e: {  	[hbm4b:s11+s4] =	stream.linear.scatter [tilespmem:s10], [sflag:$0x4], $0x400, $0x38;
	[tilespmem:$0x18100] =	vst v63  }
0x16f: {  	s12 =	sadd.s32 $0x3000, s0;
	s13 =	sadd.s32 $0xC000, s1  }
0x170: {  	[hbm4b:s13+s4] =	stream.linear.scatter [tilespmem:s12], [sflag:$0x4], $0x400, $0x38;
	[tilespmem:$0x18100] =	vst v63  }
0x171: {  	s14 =	sadd.s32 $0x3800, s0;
	s15 =	sadd.s32 $0xE000, s1  }
0x172: {  	[hbm4b:s15+s4] =	stream.linear.scatter [tilespmem:s14], [sflag:$0x4], $0x400, $0x38;
	[tilespmem:$0x18100] =	vst v63  }
0x173: {  	s16 =	sadd.s32 $0x4000, s0;
	s17 =	sadd.s32 $0x10000, s1  }
0x174: {  	[hbm4b:s17+s4] =	stream.linear.scatter [tilespmem:s16], [sflag:$0x4], $0x400, $0x38;
	[tilespmem:$0x18100] =	vst v63  }
0x175: {  	s18 =	sadd.s32 $0x4800, s0;
	s19 =	sadd.s32 $0x12000, s1  }
0x176: {  	[hbm4b:s19+s4] =	stream.linear.scatter [tilespmem:s18], [sflag:$0x4], $0x400, $0x38;
	[tilespmem:$0x18100] =	vst v63  }
0x177: {  	s20 =	sadd.s32 $0x5000, s0;
	s21 =	sadd.s32 $0x14000, s1  }
0x178: {  	[hbm4b:s21+s4] =	stream.linear.scatter [tilespmem:s20], [sflag:$0x4], $0x400, $0x38;
	[tilespmem:$0x18100] =	vst v63  }
0x179: {  	s22 =	sadd.s32 $0x5800, s0;
	s23 =	sadd.s32 $0x16000, s1  }
0x17a: {  	[hbm4b:s23+s4] =	stream.linear.scatter [tilespmem:s22], [sflag:$0x4], $0x400, $0x38;
	[tilespmem:$0x18100] =	vst v63  }
0x17b: {  	s24 =	sadd.s32 $0x6000, s0;
	s25 =	sadd.s32 $0x18000, s1  }
0x17c: {  	[hbm4b:s25+s4] =	stream.linear.scatter [tilespmem:s24], [sflag:$0x4], $0x400, $0x38;
	[tilespmem:$0x18100] =	vst v63  }
0x17d: {  	s26 =	sadd.s32 $0x6800, s0;
	s28 =	sadd.s32 $0x1A000, s1  }
0x17e: {  	[hbm4b:s28+s4] =	stream.linear.scatter [tilespmem:s26], [sflag:$0x4], $0x400, $0x38;
	[tilespmem:$0x18100] =	vst v63  }
0x17f: {  	s29 =	sadd.s32 $0x7000, s0;
	s30 =	sadd.s32 $0x1C000, s1;
	s31 =	sld [smem:$0x7EA]  }
0x180: {  	[hbm4b:s30+s4] =	stream.linear.scatter [tilespmem:s29], [sflag:$0x4], $0x400, $0x38;
	[tilespmem:$0x18100] =	vst v63  }
0x181: {  	s0 =	sadd.s32 $0x7800, s0;
	s1 =	sadd.s32 $0x1E000, s1  }
0x182: {  	[hbm4b:s1+s4] =	stream.linear.scatter [tilespmem:s0], [sflag:$0x4], $0x400, $0x38;
	[tilespmem:$0x18100] =	vst v63  }
0x183: {  	s1 =	sadd.s32 $0x1, s31  }
0x184: {  	p0 =	sne.s32 s1, $0x4  }
.Ltmp1:
0x185: {  	_ = 	snop;
	(pc) =	sbr.rel @p0 .LBB2_2-.Ltmp1, $1  }
0x186: {  	_ =	sdelay $0x3  }
0x187: {  	s1 =	simm.s32 $0x4  }
0x188: {  	_ =	swait.ge [sflag:s1], $0x4000  }
0x189: {  	[sflag:s1] =	ssyncset.done $0x0  }
0x18a: {  	[sflag:s1] =	ssyncadd.s32 $0xFFFFC000  }
0x18b: {  	_ =	swait.ge [sflag:s1], $0x4000  }
0x18c: {  	[sflag:s1] =	ssyncset.done $0x0  }
0x18d: {  	[sflag:s1] =	ssyncadd.s32 $0xFFFFC000  }
0x18e: {  	_ =	swait.ge [sflag:s1], $0x4000  }
0x18f: {  	[sflag:s1] =	ssyncset.done $0x0  }
0x190: {  	[sflag:s1] =	ssyncadd.s32 $0xFFFFC000  }
0x191: {  	_ =	swait.ge [sflag:s1], $0x4000  }
0x192: {  	s2 =	sld [smem:$0x7F8]  }
0x193: {  	s0 =	sld [smem:$0x7FD];
	_ =	sdelay $0x1  }
0x194: {  	s2 =	sadd.s32 $0x1, s2  }
0x195: {  	p0 =	sne.s32 s2, s0  }
.Ltmp2:
0x196: {  	_ = 	snop;
	(pc) =	sbr.rel @p0 .LBB2_1-.Ltmp2, $3  }
0x197: {  	_ =	sdelay $0x1  }
0x198: {  	[sflag:s1] =	ssyncset.done $0x0  }
0x199: {  	[sflag:s1] =	ssyncadd.s32 $0xFFFFC000  }
0x19a: {  	_ =	sfence.sel $0x180000  }
0x19b: {  	[bflag:$0x0] =	sbarrier.arrive $0xFFFF  }
0x19c: {  	_ =	strace $0x90000047  }
0x19d: {  	s0 =	stileid.u32;
	[bflag:$0x2] =	sbarrier.arrive $0xFFFF  }
0x19e: {  	p0 =	sne.s32 s0, $0x0;
	s0 =	rddreg [dreg:$0x3]  }
0x19f: {  	s0 =	sadd.s32 @!p0 $0x100000, s0  }
0x1a0: {  	[sflag:s0] =	ssyncadd.tile.s32 @!p0 $0x1;
	_ =	shalt  }
.Lfunc_end2:
_tile_overlayer_lowered:
.L_overlay_start_2:
0x1a1: {  	(tag) =	ssettag $0x2  }
0x1a2: {  	s0 =	rddreg [dreg:$0x0];
	s2 =	stileid.u32  }
0x1a3: {  	s1 =	rddreg [dreg:$0x1];
	p0 =	sne.s32 s2, $0x0  }
0x1a4: {  	s3 =	rddreg [dreg:$0x2];
	[bflag:$0x3] =	sbarrier.arrive $0xFFFF;
	s2 =	simm.s32 @!p0 $0x1C05  }
0x1a5: {  	[timem:s3], [sflag:s2] =	dma.local @!p0 [hbm:s0], s1  }
0x1a6: {  	s0 =	simm.s32 @!p0 $0x5  }
0x1a7: {  	_ =	swait.ge @!p0 [sflag:s0], s1  }
0x1a8: {  	s1 =	ssub.s32 @!p0 $0x0, s1;
	[sflag:s0] =	ssyncset.done @!p0 $0x0  }
0x1a9: {  	[sflag:s0] =	ssyncadd.s32 @!p0 s1  }
0x1aa: {  	[bflag:$0x3] =	sbarrier.arrive $0xFFFF  }
0x1ab: {  	_ =	shalt  }

</sc_bundles>
